<compile_context>
chip_gen: v7x
topology: tpu7x:2x2x1
jax: 0.10.2.dev20260603
libtpu: 0.0.44.dev20260713+nightly
codegen_flags: <defaults>
</compile_context>

<pallas_src>
import jax
import jax.numpy as jnp
from jax.experimental import pallas as pl
from jax.experimental.pallas import tpu as pltpu

LATENT_DIM = 64
HIDDEN = 128
NUM_EMB = 1024
BETA = 0.25

_P2 = 57
_NP2 = 3328
_ZL = 3192


def _enc2_vq_kernel(planes_ref, w_ref, b_ref, cb_ref, cb2_ref, mask_ref,
                    z_ref, loss_ref, acc_ref):
    bidx = pl.program_id(0)
    z = jnp.broadcast_to(b_ref[...], (LATENT_DIM, _ZL))
    for pi in range(4):
        y = jax.lax.dot_general(
            w_ref[pi], planes_ref[0, pi], (((1,), (0,)), ((), ())),
            preferred_element_type=jnp.float32)
        for a in range(2):
            for b in range(2):
                ck = a * 2 + b
                off = a * _P2 + b
                z = z + y[ck * LATENT_DIM:(ck + 1) * LATENT_DIM,
                          off:off + _ZL]
    z_ref[0] = z
    xc = jax.lax.dot_general(cb_ref[...], z, (((1,), (0,)), ((), ())),
                             preferred_element_type=jnp.float32)
    d = cb2_ref[...] - 2.0 * xc
    m = jnp.min(d, axis=0)
    z2 = jnp.sum(z * z, axis=0)
    partial = jnp.sum((m + z2) * mask_ref[0])

    @pl.when(bidx == 0)
    def _init():
        acc_ref[0, 0] = 0.0

    acc_ref[0, 0] += partial

    @pl.when(bidx == pl.num_programs(0) - 1)
    def _fin():
        loss_ref[0, 0] = acc_ref[0, 0]


def _enc2_vq(h, w, bias, codebook):
    B = h.shape[0]
    hp = jnp.pad(h, ((0, 0), (0, 0), (1, 1), (1, 1)))
    planes = (hp.reshape(B, HIDDEN, _P2, 2, _P2, 2)
              .transpose(0, 3, 5, 1, 2, 4)
              .reshape(B, 4, HIDDEN, _P2 * _P2))
    planes = jnp.pad(planes, ((0, 0), (0, 0), (0, 0),
                              (0, _NP2 - _P2 * _P2)))
    wt = w.transpose(2, 3, 0, 1)
    wstack = jnp.stack(
        [jnp.concatenate([wt[2 * a + p, 2 * b + q]
                          for a in range(2) for b in range(2)], axis=0)
         for p in range(2) for q in range(2)], axis=0)
    col = jax.lax.broadcasted_iota(jnp.int32, (1, _ZL), 1)
    mask = jnp.where(col % _P2 == _P2 - 1, 0.0, 1.0).astype(jnp.float32)
    cb2 = jnp.sum(codebook * codebook, axis=1)[:, None]
    z_flat, total = pl.pallas_call(
        _enc2_vq_kernel,
        grid=(B,),
        in_specs=[
            pl.BlockSpec((1, 4, HIDDEN, _NP2), lambda b: (b, 0, 0, 0)),
            pl.BlockSpec((4, 4 * LATENT_DIM, HIDDEN), lambda b: (0, 0, 0)),
            pl.BlockSpec((LATENT_DIM, 1), lambda b: (0, 0)),
            pl.BlockSpec((NUM_EMB, LATENT_DIM), lambda b: (0, 0)),
            pl.BlockSpec((NUM_EMB, 1), lambda b: (0, 0)),
            pl.BlockSpec((1, _ZL), lambda b: (0, 0)),
        ],
        out_specs=[
            pl.BlockSpec((1, LATENT_DIM, _ZL), lambda b: (b, 0, 0)),
            pl.BlockSpec((1, 1), lambda b: (0, 0), memory_space=pltpu.SMEM),
        ],
        out_shape=[
            jax.ShapeDtypeStruct((B, LATENT_DIM, _ZL), jnp.float32),
            jax.ShapeDtypeStruct((1, 1), jnp.float32),
        ],
        scratch_shapes=[pltpu.SMEM((1, 1), jnp.float32)],
    )(planes, wstack, bias[:, None], codebook, cb2, mask)
    return z_flat, total[0, 0]


_PD = 58
_NZP = 3392
_HDI = 3246
_OQL = 3248


def _dec1_kernel(zp_ref, w_ref, b_ref, mask_ref, out_ref):
    y = jax.lax.dot_general(w_ref[...], zp_ref[0], (((1,), (0,)), ((), ())),
                            preferred_element_type=jnp.float32)
    for p in range(2):
        for q in range(2):
            acc = jnp.broadcast_to(b_ref[...], (HIDDEN, _HDI))
            for a in range(2):
                for c in range(2):
                    g = ((p * 2 + q) * 2 + a) * 2 + c
                    off = 59 + (p + a - 1) * _PD + (q + c - 1)
                    acc = acc + y[g * HIDDEN:(g + 1) * HIDDEN,
                                  off:off + _HDI]
            plane = jax.nn.relu(acc) * mask_ref[...]
            out_ref[0, p * 2 + q] = jnp.pad(
                plane, ((0, 0), (59, _NZP - 59 - _HDI)))


def _dec1(zp, w, bias):
    B = zp.shape[0]
    wf = w[:, :, ::-1, ::-1]
    w_all = jnp.concatenate(
        [wf[:, :, 2 * a + p, 2 * c + q]
         for p in range(2) for q in range(2)
         for a in range(2) for c in range(2)], axis=0)
    col = jax.lax.broadcasted_iota(jnp.int32, (1, _HDI), 1) + 59
    mask = jnp.where((col % _PD == 0) | (col % _PD == _PD - 1),
                     0.0, 1.0).astype(jnp.float32)
    return pl.pallas_call(
        _dec1_kernel,
        grid=(B,),
        in_specs=[
            pl.BlockSpec((1, LATENT_DIM, _NZP), lambda b: (b, 0, 0)),
            pl.BlockSpec((16 * HIDDEN, LATENT_DIM), lambda b: (0, 0)),
            pl.BlockSpec((HIDDEN, 1), lambda b: (0, 0)),
            pl.BlockSpec((1, _HDI), lambda b: (0, 0)),
        ],
        out_specs=pl.BlockSpec((1, 4, HIDDEN, _NZP), lambda b: (b, 0, 0, 0)),
        out_shape=jax.ShapeDtypeStruct((B, 4, HIDDEN, _NZP), jnp.float32),
    )(zp, w_all, bias[:, None], mask)


def _dec2_kernel(hdpp_ref, w_ref, b_ref, out_ref):
    ys = [jax.lax.dot_general(w_ref[...], hdpp_ref[0, i],
                              (((1,), (0,)), ((), ())),
                              preferred_element_type=jnp.float32)
          for i in range(4)]
    for r in range(2):
        for p in range(2):
            for s in range(2):
                for q in range(2):
                    acc = jnp.broadcast_to(b_ref[...], (3, _OQL))
                    for a in range(2):
                        for c in range(2):
                            tr = r + p + a - 1
                            tc = s + q + c - 1
                            pl_i = (tr & 1) * 2 + (tc & 1)
                            ck = (2 * a + p) * 4 + (2 * c + q)
                            off = (1 + (tr >> 1)) * _PD + (1 + (tc >> 1))
                            acc = acc + ys[pl_i][ck * 8:ck * 8 + 3,
                                                 off:off + _OQL]
                    qi = ((r * 2 + p) * 2 + s) * 2 + q
                    out_ref[0, qi] = acc


def _dec2(hdpp, w, bias):
    B = hdpp.shape[0]
    wf = w[:, :, ::-1, ::-1]
    w_cat = jnp.pad(wf.transpose(2, 3, 0, 1),
                    ((0, 0), (0, 0), (0, 5), (0, 0))).reshape(128, HIDDEN)
    return pl.pallas_call(
        _dec2_kernel,
        grid=(B,),
        in_specs=[
            pl.BlockSpec((1, 4, HIDDEN, _NZP), lambda b: (b, 0, 0, 0)),
            pl.BlockSpec((128, HIDDEN), lambda b: (0, 0)),
            pl.BlockSpec((3, 1), lambda b: (0, 0)),
        ],
        out_specs=pl.BlockSpec((1, 16, 3, _OQL), lambda b: (b, 0, 0, 0)),
        out_shape=jax.ShapeDtypeStruct((B, 16, 3, _OQL), jnp.float32),
    )(hdpp, w_cat, bias[:, None])


def _conv(x, w, b, stride):
    y = jax.lax.conv_general_dilated(
        x, w, window_strides=(stride, stride), padding=((1, 1), (1, 1)),
        dimension_numbers=('NCHW', 'OIHW', 'NCHW'))
    return y + b[None, :, None, None]


def _conv_transpose(x, w, b):
    w_flip = w[:, :, ::-1, ::-1]
    y = jax.lax.conv_general_dilated(
        x, w_flip, window_strides=(1, 1), padding=((2, 2), (2, 2)),
        lhs_dilation=(2, 2), dimension_numbers=('NCHW', 'OIHW', 'NCHW'))
    return y + b[None, :, None, None]


def kernel(img, enc_w1, enc_b1, enc_w2, enc_b2, codebook, dec_w1, dec_b1, dec_w2, dec_b2):
    h = jax.nn.relu(_conv(img, enc_w1, enc_b1, 2))
    z_flat, total = _enc2_vq(h, enc_w2, enc_b2, codebook)
    B = img.shape[0]
    loss = (1.0 + BETA) * total / (B * LATENT_DIM * 56 * 56)
    z = z_flat.reshape(B, LATENT_DIM, 56, _P2)[:, :, :, :56]
    zp = jnp.pad(z, ((0, 0), (0, 0), (1, 1), (1, 1)))
    zp = jnp.pad(zp.reshape(B, LATENT_DIM, _PD * _PD),
                 ((0, 0), (0, 0), (0, _NZP - _PD * _PD)))
    hdpp = _dec1(zp, dec_w1, dec_b1)
    quarters = _dec2(hdpp, dec_w2, dec_b2)
    out = (quarters.reshape(B, 2, 2, 2, 2, 3, 56, _PD)[..., :56]
           .transpose(0, 5, 6, 1, 2, 7, 3, 4)
           .reshape(B, 3, 224, 224))
    return (out, loss)

# --- scband reference (transcript-rebuilt; emitter-appended) ---
"""Pipeline reference for scband-vqvae-64063732187651 (READ-ONLY COPY).

The authoritative reference and input builder live on the scoring server;
editing this copy changes nothing except your own understanding.
"""

import jax, jax.numpy as jnp
import numpy as np

LATENT_DIM = 64
HIDDEN = 128
NUM_EMB = 1024
BETA = 0.25


def _conv(x, w, b, stride):
    y = jax.lax.conv_general_dilated(
        x, w, window_strides=(stride, stride), padding=((1, 1), (1, 1)),
        dimension_numbers=('NCHW', 'OIHW', 'NCHW'))
    return y + b[None, :, None, None]


def _conv_transpose(x, w, b):
    # equivalent of torch ConvTranspose2d(k=4, s=2, p=1): lhs-dilated conv with flipped kernel
    w_flip = w[:, :, ::-1, ::-1]
    y = jax.lax.conv_general_dilated(
        x, w_flip, window_strides=(1, 1), padding=((2, 2), (2, 2)),
        lhs_dilation=(2, 2), dimension_numbers=('NCHW', 'OIHW', 'NCHW'))
    return y + b[None, :, None, None]


def setup_inputs(seed: int = 0) -> dict:
    key = jax.random.key(seed)
    ks = jax.random.split(key, 11)
    img = jax.random.normal(ks[0], (8, 3, 224, 224), dtype=jnp.float32)
    enc_w1 = jax.random.normal(ks[1], (HIDDEN, 3, 4, 4), dtype=jnp.float32) * 0.05
    enc_b1 = jnp.zeros((HIDDEN,), dtype=jnp.float32)
    enc_w2 = jax.random.normal(ks[2], (LATENT_DIM, HIDDEN, 4, 4), dtype=jnp.float32) * 0.05
    enc_b2 = jnp.zeros((LATENT_DIM,), dtype=jnp.float32)
    codebook = jax.random.normal(ks[3], (NUM_EMB, LATENT_DIM), dtype=jnp.float32)
    dec_w1 = jax.random.normal(ks[4], (HIDDEN, LATENT_DIM, 4, 4), dtype=jnp.float32) * 0.05
    dec_b1 = jnp.zeros((HIDDEN,), dtype=jnp.float32)
    dec_w2 = jax.random.normal(ks[5], (3, HIDDEN, 4, 4), dtype=jnp.float32) * 0.05
    dec_b2 = jnp.zeros((3,), dtype=jnp.float32)
    return {
        'img': img,
        'enc_w1': enc_w1, 'enc_b1': enc_b1, 'enc_w2': enc_w2, 'enc_b2': enc_b2,
        'codebook': codebook,
        'dec_w1': dec_w1, 'dec_b1': dec_b1, 'dec_w2': dec_w2, 'dec_b2': dec_b2,
    }


def reference(img, enc_w1, enc_b1, enc_w2, enc_b2, codebook, dec_w1, dec_b1, dec_w2, dec_b2):
    # encoder
    h = jax.nn.relu(_conv(img, enc_w1, enc_b1, 2))
    z = _conv(h, enc_w2, enc_b2, 2)  # [B, C, H, W]
    B, C, H, W = z.shape
    z_flat = z.reshape(B, C, H * W).transpose(0, 2, 1)  # [B, HW, C]
    # squared Euclidean distances (argmin identical to cdist p=2)
    d2 = (jnp.sum(z_flat ** 2, axis=-1, keepdims=True)
          - 2.0 * jnp.einsum('bnc,kc->bnk', z_flat, codebook)
          + jnp.sum(codebook ** 2, axis=-1)[None, None, :])
    indices = jnp.argmin(d2, axis=-1)  # [B, HW]
    z_q = jnp.take(codebook, indices, axis=0)  # [B, HW, C]
    z_q = z_q.transpose(0, 2, 1).reshape(B, C, H, W)
    commitment_loss = jnp.mean((jax.lax.stop_gradient(z_q) - z) ** 2)
    codebook_loss = jnp.mean((z_q - jax.lax.stop_gradient(z)) ** 2)
    loss = commitment_loss + codebook_loss * BETA
    # decoder (note: original torch code decodes z, not z_q; keep faithful)
    hd = jax.nn.relu(_conv_transpose(z, dec_w1, dec_b1))
    out = _conv_transpose(hd, dec_w2, dec_b2)
    return (out, loss)

if __name__ == "__main__":
    import jax
    _d = setup_inputs()
    print(jax.jit(kernel)(*tuple(_d.values())))

</pallas_src>

<mosaic_0001>
module attributes {stable_mosaic.version = 14 : i64} {
  func.func @_enc2_vq_kernel(%arg0: i32, %arg1: memref<1x4x128x3328xf32, #tpu.memory_space<vmem>>, %arg2: memref<4x256x128xf32, #tpu.memory_space<vmem>>, %arg3: memref<64x1xf32, #tpu.memory_space<vmem>>, %arg4: memref<1024x64xf32, #tpu.memory_space<vmem>>, %arg5: memref<1024x1xf32, #tpu.memory_space<vmem>>, %arg6: memref<1x3192xf32, #tpu.memory_space<vmem>>, %arg7: memref<1x64x3192xf32, #tpu.memory_space<vmem>>, %arg8: memref<1x1xf32, #tpu.memory_space<smem>>, %arg9: memref<1x1xf32, #tpu.memory_space<smem>>) attributes {dimension_semantics = [#tpu.dimension_semantics<arbitrary>], iteration_bounds = array<i64: 8>, scalar_prefetch = 0 : i64, scratch_operands = 1 : i64, tpu.core_type = #tpu.core_type<tc>, window_params = [{transform_indices = @transform_0, window_bounds = array<i64: 1, 4, 128, 3328>}, {pipeline_mode = #tpu.pipeline_mode<synchronous>, transform_indices = @transform_1, window_bounds = array<i64: 4, 256, 128>}, {pipeline_mode = #tpu.pipeline_mode<synchronous>, transform_indices = @transform_2, window_bounds = array<i64: 64, 1>}, {pipeline_mode = #tpu.pipeline_mode<synchronous>, transform_indices = @transform_3, window_bounds = array<i64: 1024, 64>}, {pipeline_mode = #tpu.pipeline_mode<synchronous>, transform_indices = @transform_4, window_bounds = array<i64: 1024, 1>}, {pipeline_mode = #tpu.pipeline_mode<synchronous>, transform_indices = @transform_5, window_bounds = array<i64: 1, 3192>}, {transform_indices = @transform_6, window_bounds = array<i64: 1, 64, 3192>}, {transform_indices = @transform_7, window_bounds = array<i64: 1, 1>}]} {
    %get3A = arith.constant 0 : index
    %get3A_0 = arith.constant 0 : index
    %get3A_1 = vector.load %arg3[%get3A, %get3A_0] : memref<64x1xf32, #tpu.memory_space<vmem>>, vector<64x1xf32>
    %broadcast_in_dim3A = vector.shape_cast %get3A_1 : vector<64x1xf32> to vector<64x1xf32>
    %broadcast_in_dim3A_2 = vector.broadcast %broadcast_in_dim3A : vector<64x1xf32> to vector<64x3192xf32>
    %get3A_3 = arith.constant 0 : index
    %get3A_4 = arith.constant 0 : index
    %get3A_5 = arith.constant 0 : index
    %get3A_6 = vector.load %arg2[%get3A_3, %get3A_4, %get3A_5] : memref<4x256x128xf32, #tpu.memory_space<vmem>>, vector<1x256x128xf32>
    %get3A_7 = vector.shape_cast %get3A_6 : vector<1x256x128xf32> to vector<256x128xf32>
    %get3A_8 = arith.constant 0 : index
    %get3A_9 = arith.constant 0 : index
    %get3A_10 = arith.constant 0 : index
    %get3A_11 = arith.constant 0 : index
    %get3A_12 = vector.load %arg1[%get3A_8, %get3A_9, %get3A_10, %get3A_11] : memref<1x4x128x3328xf32, #tpu.memory_space<vmem>>, vector<1x1x128x3328xf32>
    %get3A_13 = vector.shape_cast %get3A_12 : vector<1x1x128x3328xf32> to vector<128x3328xf32>
    %dot_general3A = arith.constant dense<0.000000e+00> : vector<256x3328xf32>
    %dot_general3A_14 = tpu.matmul %get3A_7, %get3A_13, %dot_general3A {dimension_numbers = #tpu.dot_dimension_numbers<[1], [0], [0], [1], [0, 0, 1, 1], [], []>, transpose_lhs_hint = false} : vector<256x128xf32>, vector<128x3328xf32>, vector<256x3328xf32> -> vector<256x3328xf32>
    %slice3A = vector.extract_strided_slice %dot_general3A_14 {offsets = [0, 0], sizes = [64, 3192], strides = [1, 1]} : vector<256x3328xf32> to vector<64x3192xf32>
    %add3A = arith.addf %broadcast_in_dim3A_2, %slice3A : vector<64x3192xf32>
    %slice3A_15 = vector.extract_strided_slice %dot_general3A_14 {offsets = [64, 1], sizes = [64, 3192], strides = [1, 1]} : vector<256x3328xf32> to vector<64x3192xf32>
    %add3A_16 = arith.addf %add3A, %slice3A_15 : vector<64x3192xf32>
    %slice3A_17 = vector.extract_strided_slice %dot_general3A_14 {offsets = [128, 57], sizes = [64, 3192], strides = [1, 1]} : vector<256x3328xf32> to vector<64x3192xf32>
    %add3A_18 = arith.addf %add3A_16, %slice3A_17 : vector<64x3192xf32>
    %slice3A_19 = vector.extract_strided_slice %dot_general3A_14 {offsets = [192, 58], sizes = [64, 3192], strides = [1, 1]} : vector<256x3328xf32> to vector<64x3192xf32>
    %add3A_20 = arith.addf %add3A_18, %slice3A_19 : vector<64x3192xf32>
    %get3A_21 = arith.constant 1 : index
    %get3A_22 = arith.constant 0 : index
    %get3A_23 = arith.constant 0 : index
    %get3A_24 = vector.load %arg2[%get3A_21, %get3A_22, %get3A_23] : memref<4x256x128xf32, #tpu.memory_space<vmem>>, vector<1x256x128xf32>
    %get3A_25 = vector.shape_cast %get3A_24 : vector<1x256x128xf32> to vector<256x128xf32>
    %get3A_26 = arith.constant 0 : index
    %get3A_27 = arith.constant 1 : index
    %get3A_28 = arith.constant 0 : index
    %get3A_29 = arith.constant 0 : index
    %get3A_30 = vector.load %arg1[%get3A_26, %get3A_27, %get3A_28, %get3A_29] : memref<1x4x128x3328xf32, #tpu.memory_space<vmem>>, vector<1x1x128x3328xf32>
    %get3A_31 = vector.shape_cast %get3A_30 : vector<1x1x128x3328xf32> to vector<128x3328xf32>
    %dot_general3A_32 = arith.constant dense<0.000000e+00> : vector<256x3328xf32>
    %dot_general3A_33 = tpu.matmul %get3A_25, %get3A_31, %dot_general3A_32 {dimension_numbers = #tpu.dot_dimension_numbers<[1], [0], [0], [1], [0, 0, 1, 1], [], []>, transpose_lhs_hint = false} : vector<256x128xf32>, vector<128x3328xf32>, vector<256x3328xf32> -> vector<256x3328xf32>
    %slice3A_34 = vector.extract_strided_slice %dot_general3A_33 {offsets = [0, 0], sizes = [64, 3192], strides = [1, 1]} : vector<256x3328xf32> to vector<64x3192xf32>
    %add3A_35 = arith.addf %add3A_20, %slice3A_34 : vector<64x3192xf32>
    %slice3A_36 = vector.extract_strided_slice %dot_general3A_33 {offsets = [64, 1], sizes = [64, 3192], strides = [1, 1]} : vector<256x3328xf32> to vector<64x3192xf32>
    %add3A_37 = arith.addf %add3A_35, %slice3A_36 : vector<64x3192xf32>
    %slice3A_38 = vector.extract_strided_slice %dot_general3A_33 {offsets = [128, 57], sizes = [64, 3192], strides = [1, 1]} : vector<256x3328xf32> to vector<64x3192xf32>
    %add3A_39 = arith.addf %add3A_37, %slice3A_38 : vector<64x3192xf32>
    %slice3A_40 = vector.extract_strided_slice %dot_general3A_33 {offsets = [192, 58], sizes = [64, 3192], strides = [1, 1]} : vector<256x3328xf32> to vector<64x3192xf32>
    %add3A_41 = arith.addf %add3A_39, %slice3A_40 : vector<64x3192xf32>
    %get3A_42 = arith.constant 2 : index
    %get3A_43 = arith.constant 0 : index
    %get3A_44 = arith.constant 0 : index
    %get3A_45 = vector.load %arg2[%get3A_42, %get3A_43, %get3A_44] : memref<4x256x128xf32, #tpu.memory_space<vmem>>, vector<1x256x128xf32>
    %get3A_46 = vector.shape_cast %get3A_45 : vector<1x256x128xf32> to vector<256x128xf32>
    %get3A_47 = arith.constant 0 : index
    %get3A_48 = arith.constant 2 : index
    %get3A_49 = arith.constant 0 : index
    %get3A_50 = arith.constant 0 : index
    %get3A_51 = vector.load %arg1[%get3A_47, %get3A_48, %get3A_49, %get3A_50] : memref<1x4x128x3328xf32, #tpu.memory_space<vmem>>, vector<1x1x128x3328xf32>
    %get3A_52 = vector.shape_cast %get3A_51 : vector<1x1x128x3328xf32> to vector<128x3328xf32>
    %dot_general3A_53 = arith.constant dense<0.000000e+00> : vector<256x3328xf32>
    %dot_general3A_54 = tpu.matmul %get3A_46, %get3A_52, %dot_general3A_53 {dimension_numbers = #tpu.dot_dimension_numbers<[1], [0], [0], [1], [0, 0, 1, 1], [], []>, transpose_lhs_hint = false} : vector<256x128xf32>, vector<128x3328xf32>, vector<256x3328xf32> -> vector<256x3328xf32>
    %slice3A_55 = vector.extract_strided_slice %dot_general3A_54 {offsets = [0, 0], sizes = [64, 3192], strides = [1, 1]} : vector<256x3328xf32> to vector<64x3192xf32>
    %add3A_56 = arith.addf %add3A_41, %slice3A_55 : vector<64x3192xf32>
    %slice3A_57 = vector.extract_strided_slice %dot_general3A_54 {offsets = [64, 1], sizes = [64, 3192], strides = [1, 1]} : vector<256x3328xf32> to vector<64x3192xf32>
    %add3A_58 = arith.addf %add3A_56, %slice3A_57 : vector<64x3192xf32>
    %slice3A_59 = vector.extract_strided_slice %dot_general3A_54 {offsets = [128, 57], sizes = [64, 3192], strides = [1, 1]} : vector<256x3328xf32> to vector<64x3192xf32>
    %add3A_60 = arith.addf %add3A_58, %slice3A_59 : vector<64x3192xf32>
    %slice3A_61 = vector.extract_strided_slice %dot_general3A_54 {offsets = [192, 58], sizes = [64, 3192], strides = [1, 1]} : vector<256x3328xf32> to vector<64x3192xf32>
    %add3A_62 = arith.addf %add3A_60, %slice3A_61 : vector<64x3192xf32>
    %get3A_63 = arith.constant 3 : index
    %get3A_64 = arith.constant 0 : index
    %get3A_65 = arith.constant 0 : index
    %get3A_66 = vector.load %arg2[%get3A_63, %get3A_64, %get3A_65] : memref<4x256x128xf32, #tpu.memory_space<vmem>>, vector<1x256x128xf32>
    %get3A_67 = vector.shape_cast %get3A_66 : vector<1x256x128xf32> to vector<256x128xf32>
    %get3A_68 = arith.constant 0 : index
    %get3A_69 = arith.constant 3 : index
    %get3A_70 = arith.constant 0 : index
    %get3A_71 = arith.constant 0 : index
    %get3A_72 = vector.load %arg1[%get3A_68, %get3A_69, %get3A_70, %get3A_71] : memref<1x4x128x3328xf32, #tpu.memory_space<vmem>>, vector<1x1x128x3328xf32>
    %get3A_73 = vector.shape_cast %get3A_72 : vector<1x1x128x3328xf32> to vector<128x3328xf32>
    %dot_general3A_74 = arith.constant dense<0.000000e+00> : vector<256x3328xf32>
    %dot_general3A_75 = tpu.matmul %get3A_67, %get3A_73, %dot_general3A_74 {dimension_numbers = #tpu.dot_dimension_numbers<[1], [0], [0], [1], [0, 0, 1, 1], [], []>, transpose_lhs_hint = false} : vector<256x128xf32>, vector<128x3328xf32>, vector<256x3328xf32> -> vector<256x3328xf32>
    %slice3A_76 = vector.extract_strided_slice %dot_general3A_75 {offsets = [0, 0], sizes = [64, 3192], strides = [1, 1]} : vector<256x3328xf32> to vector<64x3192xf32>
    %add3A_77 = arith.addf %add3A_62, %slice3A_76 : vector<64x3192xf32>
    %slice3A_78 = vector.extract_strided_slice %dot_general3A_75 {offsets = [64, 1], sizes = [64, 3192], strides = [1, 1]} : vector<256x3328xf32> to vector<64x3192xf32>
    %add3A_79 = arith.addf %add3A_77, %slice3A_78 : vector<64x3192xf32>
    %slice3A_80 = vector.extract_strided_slice %dot_general3A_75 {offsets = [128, 57], sizes = [64, 3192], strides = [1, 1]} : vector<256x3328xf32> to vector<64x3192xf32>
    %add3A_81 = arith.addf %add3A_79, %slice3A_80 : vector<64x3192xf32>
    %slice3A_82 = vector.extract_strided_slice %dot_general3A_75 {offsets = [192, 58], sizes = [64, 3192], strides = [1, 1]} : vector<256x3328xf32> to vector<64x3192xf32>
    %add3A_83 = arith.addf %add3A_81, %slice3A_82 : vector<64x3192xf32>
    %swap3A = arith.constant 0 : index
    %swap3A_84 = arith.constant 0 : index
    %swap3A_85 = arith.constant 0 : index
    %swap3A_86 = vector.load %arg7[%swap3A, %swap3A_84, %swap3A_85] : memref<1x64x3192xf32, #tpu.memory_space<vmem>>, vector<1x64x3192xf32>
    %swap3A_87 = vector.shape_cast %swap3A_86 : vector<1x64x3192xf32> to vector<64x3192xf32>
    %swap3A_88 = vector.shape_cast %add3A_83 : vector<64x3192xf32> to vector<1x64x3192xf32>
    tpu.vector_store %arg7[%swap3A, %swap3A_84, %swap3A_85], %swap3A_88 {strides = array<i32>} : memref<1x64x3192xf32, #tpu.memory_space<vmem>>, vector<1x64x3192xf32>,
    %get3A_89 = arith.constant 0 : index
    %get3A_90 = arith.constant 0 : index
    %get3A_91 = vector.load %arg4[%get3A_89, %get3A_90] : memref<1024x64xf32, #tpu.memory_space<vmem>>, vector<1024x64xf32>
    %dot_general3A_92 = arith.constant dense<0.000000e+00> : vector<1024x3192xf32>
    %dot_general3A_93 = tpu.matmul %get3A_91, %add3A_83, %dot_general3A_92 {dimension_numbers = #tpu.dot_dimension_numbers<[1], [0], [0], [1], [0, 0, 1, 1], [], []>, transpose_lhs_hint = false} : vector<1024x64xf32>, vector<64x3192xf32>, vector<1024x3192xf32> -> vector<1024x3192xf32>
    %get3A_94 = arith.constant 0 : index
    %get3A_95 = arith.constant 0 : index
    %get3A_96 = vector.load %arg5[%get3A_94, %get3A_95] : memref<1024x1xf32, #tpu.memory_space<vmem>>, vector<1024x1xf32>
    %mul3A = arith.constant 2.000000e+00 : f32
    %mul3A_97 = vector.broadcast %mul3A : f32 to vector<1024x3192xf32>
    %mul3A_98 = arith.mulf %mul3A_97, %dot_general3A_93 : vector<1024x3192xf32>
    %sub3A = vector.broadcast %get3A_96 : vector<1024x1xf32> to vector<1024x3192xf32>
    %sub3A_99 = arith.subf %sub3A, %mul3A_98 : vector<1024x3192xf32>
    %reduce_min3A = arith.constant dense<0x7F800000> : vector<3192xf32>
    %reduce_min3A_100 = vector.multi_reduction <minimumf>, %sub3A_99, %reduce_min3A [0] : vector<1024x3192xf32> to vector<3192xf32>
    %mul3A_101 = arith.mulf %add3A_83, %add3A_83 : vector<64x3192xf32>
    %reduce_sum3A = arith.constant dense<0.000000e+00> : vector<3192xf32>
    %reduce_sum3A_102 = vector.multi_reduction <add>, %mul3A_101, %reduce_sum3A [0] : vector<64x3192xf32> to vector<3192xf32>
    %add3A_103 = arith.addf %reduce_min3A_100, %reduce_sum3A_102 : vector<3192xf32>
    %get3A_104 = arith.constant 0 : index
    %get3A_105 = arith.constant 0 : index
    %get3A_106 = vector.load %arg6[%get3A_104, %get3A_105] : memref<1x3192xf32, #tpu.memory_space<vmem>>, vector<1x3192xf32>
    %get3A_107 = vector.shape_cast %get3A_106 : vector<1x3192xf32> to vector<3192xf32>
    %mul3A_108 = arith.mulf %add3A_103, %get3A_107 : vector<3192xf32>
    %reduce_sum3A_109 = vector.shape_cast %mul3A_108 : vector<3192xf32> to vector<1x3192xf32>
    %reduce_sum3A_110 = arith.constant dense<0.000000e+00> : vector<1xf32>
    %reduce_sum3A_111 = vector.multi_reduction <add>, %reduce_sum3A_109, %reduce_sum3A_110 [1] : vector<1x3192xf32> to vector<1xf32>
    %reduce_sum3A_112 = vector.shape_cast %reduce_sum3A_111 : vector<1xf32> to vector<1x1xf32>
    %reduce_sum3A_113 = vector.extract %reduce_sum3A_112[0, 0] : f32 from vector<1x1xf32>
    %eq3A = arith.constant 0 : i32
    %eq3A_114 = arith.cmpi eq, %arg0, %eq3A : i32
    %convert_element_type3A = arith.extui %eq3A_114 : i1 to i32
    %cond3A = arith.constant 0 : i32
    %cond3A_115 = arith.cmpi ne, %convert_element_type3A, %cond3A : i32
    scf.if %cond3A_115 {
      %swap3A_128 = arith.constant 0.000000e+00 : f32
      %swap3A_129 = arith.constant 0 : index
      %swap3A_130 = arith.constant 0 : index
      %swap3A_131 = memref.load %arg9[%swap3A_129, %swap3A_130] : memref<1x1xf32, #tpu.memory_space<smem>>
      memref.store %swap3A_128, %arg9[%swap3A_129, %swap3A_130] : memref<1x1xf32, #tpu.memory_space<smem>>
    } else {
    }
    %get3A_116 = arith.constant 0 : index
    %get3A_117 = arith.constant 0 : index
    %get3A_118 = memref.load %arg9[%get3A_116, %get3A_117] : memref<1x1xf32, #tpu.memory_space<smem>>
    %add3A_119 = arith.addf %get3A_118, %reduce_sum3A_113 : f32
    %swap3A_120 = arith.constant 0 : index
    %swap3A_121 = arith.constant 0 : index
    %swap3A_122 = memref.load %arg9[%swap3A_120, %swap3A_121] : memref<1x1xf32, #tpu.memory_space<smem>>
    memref.store %add3A_119, %arg9[%swap3A_120, %swap3A_121] : memref<1x1xf32, #tpu.memory_space<smem>>
    %eq3A_123 = arith.constant 7 : i32
    %eq3A_124 = arith.cmpi eq, %arg0, %eq3A_123 : i32
    %convert_element_type3A_125 = arith.extui %eq3A_124 : i1 to i32
    %cond3A_126 = arith.constant 0 : i32
    %cond3A_127 = arith.cmpi ne, %convert_element_type3A_125, %cond3A_126 : i32
    scf.if %cond3A_127 {
      %get3A_128 = arith.constant 0 : index
      %get3A_129 = arith.constant 0 : index
      %get3A_130 = memref.load %arg9[%get3A_128, %get3A_129] : memref<1x1xf32, #tpu.memory_space<smem>>
      %swap3A_131 = arith.constant 0 : index
      %swap3A_132 = arith.constant 0 : index
      %swap3A_133 = memref.load %arg8[%swap3A_131, %swap3A_132] : memref<1x1xf32, #tpu.memory_space<smem>>
      memref.store %get3A_130, %arg8[%swap3A_131, %swap3A_132] : memref<1x1xf32, #tpu.memory_space<smem>>
    } else {
    }
    return
  }
  func.func @transform_0(%arg0: i32) -> (i32, i32, i32, i32) {
    %c0_i32 = arith.constant 0 : i32
    %c0_i32_0 = arith.constant 0 : i32
    %c0_i32_1 = arith.constant 0 : i32
    %c0_i32_2 = arith.constant 0 : i32
    return %arg0, %c0_i32, %c0_i32_0, %c0_i32_1 : i32, i32, i32, i32
  }
  func.func @transform_1(%arg0: i32) -> (i32, i32, i32) {
    %c0_i32 = arith.constant 0 : i32
    %c0_i32_0 = arith.constant 0 : i32
    %c0_i32_1 = arith.constant 0 : i32
    %c0_i32_2 = arith.constant 0 : i32
    return %c0_i32, %c0_i32_0, %c0_i32_1 : i32, i32, i32
  }
  func.func @transform_2(%arg0: i32) -> (i32, i32) {
    %c0_i32 = arith.constant 0 : i32
    %c0_i32_0 = arith.constant 0 : i32
    %c0_i32_1 = arith.constant 0 : i32
    return %c0_i32, %c0_i32_0 : i32, i32
  }
  func.func @transform_3(%arg0: i32) -> (i32, i32) {
    %c0_i32 = arith.constant 0 : i32
    %c0_i32_0 = arith.constant 0 : i32
    %c0_i32_1 = arith.constant 0 : i32
    return %c0_i32, %c0_i32_0 : i32, i32
  }
  func.func @transform_4(%arg0: i32) -> (i32, i32) {
    %c0_i32 = arith.constant 0 : i32
    %c0_i32_0 = arith.constant 0 : i32
    %c0_i32_1 = arith.constant 0 : i32
    return %c0_i32, %c0_i32_0 : i32, i32
  }
  func.func @transform_5(%arg0: i32) -> (i32, i32) {
    %c0_i32 = arith.constant 0 : i32
    %c0_i32_0 = arith.constant 0 : i32
    %c0_i32_1 = arith.constant 0 : i32
    return %c0_i32, %c0_i32_0 : i32, i32
  }
  func.func @transform_6(%arg0: i32) -> (i32, i32, i32) {
    %c0_i32 = arith.constant 0 : i32
    %c0_i32_0 = arith.constant 0 : i32
    %c0_i32_1 = arith.constant 0 : i32
    return %arg0, %c0_i32, %c0_i32_0 : i32, i32, i32
  }
  func.func @transform_7(%arg0: i32) -> (i32, i32) {
    %c0_i32 = arith.constant 0 : i32
    %c0_i32_0 = arith.constant 0 : i32
    %c0_i32_1 = arith.constant 0 : i32
    return %c0_i32, %c0_i32_0 : i32, i32
  }
}

module attributes {stable_mosaic.version = 14 : i64} {
  func.func @_dec1_kernel(%arg0: i32, %arg1: memref<1x64x3392xf32, #tpu.memory_space<vmem>>, %arg2: memref<2048x64xf32, #tpu.memory_space<vmem>>, %arg3: memref<128x1xf32, #tpu.memory_space<vmem>>, %arg4: memref<1x3246xf32, #tpu.memory_space<vmem>>, %arg5: memref<1x4x128x3392xf32, #tpu.memory_space<vmem>>) attributes {dimension_semantics = [#tpu.dimension_semantics<arbitrary>], iteration_bounds = array<i64: 8>, scalar_prefetch = 0 : i64, scratch_operands = 0 : i64, tpu.core_type = #tpu.core_type<tc>, window_params = [{transform_indices = @transform_0, window_bounds = array<i64: 1, 64, 3392>}, {pipeline_mode = #tpu.pipeline_mode<synchronous>, transform_indices = @transform_1, window_bounds = array<i64: 2048, 64>}, {pipeline_mode = #tpu.pipeline_mode<synchronous>, transform_indices = @transform_2, window_bounds = array<i64: 128, 1>}, {pipeline_mode = #tpu.pipeline_mode<synchronous>, transform_indices = @transform_3, window_bounds = array<i64: 1, 3246>}, {transform_indices = @transform_4, window_bounds = array<i64: 1, 4, 128, 3392>}]} {
    %get3A = arith.constant 0 : index
    %get3A_0 = arith.constant 0 : index
    %get3A_1 = vector.load %arg2[%get3A, %get3A_0] : memref<2048x64xf32, #tpu.memory_space<vmem>>, vector<2048x64xf32>
    %get3A_2 = arith.constant 0 : index
    %get3A_3 = arith.constant 0 : index
    %get3A_4 = arith.constant 0 : index
    %get3A_5 = vector.load %arg1[%get3A_2, %get3A_3, %get3A_4] : memref<1x64x3392xf32, #tpu.memory_space<vmem>>, vector<1x64x3392xf32>
    %get3A_6 = vector.shape_cast %get3A_5 : vector<1x64x3392xf32> to vector<64x3392xf32>
    %dot_general3A = arith.constant dense<0.000000e+00> : vector<2048x3392xf32>
    %dot_general3A_7 = tpu.matmul %get3A_1, %get3A_6, %dot_general3A {dimension_numbers = #tpu.dot_dimension_numbers<[1], [0], [0], [1], [0, 0, 1, 1], [], []>, transpose_lhs_hint = false} : vector<2048x64xf32>, vector<64x3392xf32>, vector<2048x3392xf32> -> vector<2048x3392xf32>
    %get3A_8 = arith.constant 0 : index
    %get3A_9 = arith.constant 0 : index
    %get3A_10 = vector.load %arg3[%get3A_8, %get3A_9] : memref<128x1xf32, #tpu.memory_space<vmem>>, vector<128x1xf32>
    %broadcast_in_dim3A = vector.shape_cast %get3A_10 : vector<128x1xf32> to vector<128x1xf32>
    %broadcast_in_dim3A_11 = vector.broadcast %broadcast_in_dim3A : vector<128x1xf32> to vector<128x3246xf32>
    %slice3A = vector.extract_strided_slice %dot_general3A_7 {offsets = [0, 0], sizes = [128, 3246], strides = [1, 1]} : vector<2048x3392xf32> to vector<128x3246xf32>
    %add3A = arith.addf %broadcast_in_dim3A_11, %slice3A : vector<128x3246xf32>
    %slice3A_12 = vector.extract_strided_slice %dot_general3A_7 {offsets = [128, 1], sizes = [128, 3246], strides = [1, 1]} : vector<2048x3392xf32> to vector<128x3246xf32>
    %add3A_13 = arith.addf %add3A, %slice3A_12 : vector<128x3246xf32>
    %slice3A_14 = vector.extract_strided_slice %dot_general3A_7 {offsets = [256, 58], sizes = [128, 3246], strides = [1, 1]} : vector<2048x3392xf32> to vector<128x3246xf32>
    %add3A_15 = arith.addf %add3A_13, %slice3A_14 : vector<128x3246xf32>
    %slice3A_16 = vector.extract_strided_slice %dot_general3A_7 {offsets = [384, 59], sizes = [128, 3246], strides = [1, 1]} : vector<2048x3392xf32> to vector<128x3246xf32>
    %add3A_17 = arith.addf %add3A_15, %slice3A_16 : vector<128x3246xf32>
    %max3A = arith.constant 0.000000e+00 : f32
    %max3A_18 = vector.broadcast %max3A : f32 to vector<128x3246xf32>
    %max3A_19 = arith.maximumf %add3A_17, %max3A_18 : vector<128x3246xf32>
    %get3A_20 = arith.constant 0 : index
    %get3A_21 = arith.constant 0 : index
    %get3A_22 = vector.load %arg4[%get3A_20, %get3A_21] : memref<1x3246xf32, #tpu.memory_space<vmem>>, vector<1x3246xf32>
    %mul3A = vector.broadcast %get3A_22 : vector<1x3246xf32> to vector<128x3246xf32>
    %mul3A_23 = arith.mulf %max3A_19, %mul3A : vector<128x3246xf32>
    %jit3A = arith.constant 0 : i32
    %convert_element_type3A = arith.sitofp %jit3A : i32 to f32
    %pad3A = vector.broadcast %convert_element_type3A : f32 to vector<128x59xf32>
    %pad3A_24 = tpu.concatenate %pad3A, %mul3A_23 in 1 : vector<128x59xf32>, vector<128x3246xf32> -> vector<128x3305xf32>
    %pad3A_25 = vector.broadcast %convert_element_type3A : f32 to vector<128x87xf32>
    %pad3A_26 = tpu.concatenate %pad3A_24, %pad3A_25 in 1 : vector<128x3305xf32>, vector<128x87xf32> -> vector<128x3392xf32>
    %swap3A = arith.constant 0 : index
    %swap3A_27 = arith.constant 0 : index
    %swap3A_28 = arith.constant 0 : index
    %swap3A_29 = arith.constant 0 : index
    %swap3A_30 = vector.load %arg5[%swap3A, %swap3A_27, %swap3A_28, %swap3A_29] : memref<1x4x128x3392xf32, #tpu.memory_space<vmem>>, vector<1x1x128x3392xf32>
    %swap3A_31 = vector.shape_cast %swap3A_30 : vector<1x1x128x3392xf32> to vector<128x3392xf32>
    %swap3A_32 = vector.shape_cast %pad3A_26 : vector<128x3392xf32> to vector<1x1x128x3392xf32>
    tpu.vector_store %arg5[%swap3A, %swap3A_27, %swap3A_28, %swap3A_29], %swap3A_32 {strides = array<i32>} : memref<1x4x128x3392xf32, #tpu.memory_space<vmem>>, vector<1x1x128x3392xf32>,
    %get3A_33 = arith.constant 0 : index
    %get3A_34 = arith.constant 0 : index
    %get3A_35 = vector.load %arg3[%get3A_33, %get3A_34] : memref<128x1xf32, #tpu.memory_space<vmem>>, vector<128x1xf32>
    %broadcast_in_dim3A_36 = vector.shape_cast %get3A_35 : vector<128x1xf32> to vector<128x1xf32>
    %broadcast_in_dim3A_37 = vector.broadcast %broadcast_in_dim3A_36 : vector<128x1xf32> to vector<128x3246xf32>
    %slice3A_38 = vector.extract_strided_slice %dot_general3A_7 {offsets = [512, 1], sizes = [128, 3246], strides = [1, 1]} : vector<2048x3392xf32> to vector<128x3246xf32>
    %add3A_39 = arith.addf %broadcast_in_dim3A_37, %slice3A_38 : vector<128x3246xf32>
    %slice3A_40 = vector.extract_strided_slice %dot_general3A_7 {offsets = [640, 2], sizes = [128, 3246], strides = [1, 1]} : vector<2048x3392xf32> to vector<128x3246xf32>
    %add3A_41 = arith.addf %add3A_39, %slice3A_40 : vector<128x3246xf32>
    %slice3A_42 = vector.extract_strided_slice %dot_general3A_7 {offsets = [768, 59], sizes = [128, 3246], strides = [1, 1]} : vector<2048x3392xf32> to vector<128x3246xf32>
    %add3A_43 = arith.addf %add3A_41, %slice3A_42 : vector<128x3246xf32>
    %slice3A_44 = vector.extract_strided_slice %dot_general3A_7 {offsets = [896, 60], sizes = [128, 3246], strides = [1, 1]} : vector<2048x3392xf32> to vector<128x3246xf32>
    %add3A_45 = arith.addf %add3A_43, %slice3A_44 : vector<128x3246xf32>
    %max3A_46 = arith.constant 0.000000e+00 : f32
    %max3A_47 = vector.broadcast %max3A_46 : f32 to vector<128x3246xf32>
    %max3A_48 = arith.maximumf %add3A_45, %max3A_47 : vector<128x3246xf32>
    %get3A_49 = arith.constant 0 : index
    %get3A_50 = arith.constant 0 : index
    %get3A_51 = vector.load %arg4[%get3A_49, %get3A_50] : memref<1x3246xf32, #tpu.memory_space<vmem>>, vector<1x3246xf32>
    %mul3A_52 = vector.broadcast %get3A_51 : vector<1x3246xf32> to vector<128x3246xf32>
    %mul3A_53 = arith.mulf %max3A_48, %mul3A_52 : vector<128x3246xf32>
    %jit3A_54 = arith.constant 0 : i32
    %convert_element_type3A_55 = arith.sitofp %jit3A_54 : i32 to f32
    %pad3A_56 = vector.broadcast %convert_element_type3A_55 : f32 to vector<128x59xf32>
    %pad3A_57 = tpu.concatenate %pad3A_56, %mul3A_53 in 1 : vector<128x59xf32>, vector<128x3246xf32> -> vector<128x3305xf32>
    %pad3A_58 = vector.broadcast %convert_element_type3A_55 : f32 to vector<128x87xf32>
    %pad3A_59 = tpu.concatenate %pad3A_57, %pad3A_58 in 1 : vector<128x3305xf32>, vector<128x87xf32> -> vector<128x3392xf32>
    %swap3A_60 = arith.constant 0 : index
    %swap3A_61 = arith.constant 1 : index
    %swap3A_62 = arith.constant 0 : index
    %swap3A_63 = arith.constant 0 : index
    %swap3A_64 = vector.load %arg5[%swap3A_60, %swap3A_61, %swap3A_62, %swap3A_63] : memref<1x4x128x3392xf32, #tpu.memory_space<vmem>>, vector<1x1x128x3392xf32>
    %swap3A_65 = vector.shape_cast %swap3A_64 : vector<1x1x128x3392xf32> to vector<128x3392xf32>
    %swap3A_66 = vector.shape_cast %pad3A_59 : vector<128x3392xf32> to vector<1x1x128x3392xf32>
    tpu.vector_store %arg5[%swap3A_60, %swap3A_61, %swap3A_62, %swap3A_63], %swap3A_66 {strides = array<i32>} : memref<1x4x128x3392xf32, #tpu.memory_space<vmem>>, vector<1x1x128x3392xf32>,
    %get3A_67 = arith.constant 0 : index
    %get3A_68 = arith.constant 0 : index
    %get3A_69 = vector.load %arg3[%get3A_67, %get3A_68] : memref<128x1xf32, #tpu.memory_space<vmem>>, vector<128x1xf32>
    %broadcast_in_dim3A_70 = vector.shape_cast %get3A_69 : vector<128x1xf32> to vector<128x1xf32>
    %broadcast_in_dim3A_71 = vector.broadcast %broadcast_in_dim3A_70 : vector<128x1xf32> to vector<128x3246xf32>
    %slice3A_72 = vector.extract_strided_slice %dot_general3A_7 {offsets = [1024, 58], sizes = [128, 3246], strides = [1, 1]} : vector<2048x3392xf32> to vector<128x3246xf32>
    %add3A_73 = arith.addf %broadcast_in_dim3A_71, %slice3A_72 : vector<128x3246xf32>
    %slice3A_74 = vector.extract_strided_slice %dot_general3A_7 {offsets = [1152, 59], sizes = [128, 3246], strides = [1, 1]} : vector<2048x3392xf32> to vector<128x3246xf32>
    %add3A_75 = arith.addf %add3A_73, %slice3A_74 : vector<128x3246xf32>
    %slice3A_76 = vector.extract_strided_slice %dot_general3A_7 {offsets = [1280, 116], sizes = [128, 3246], strides = [1, 1]} : vector<2048x3392xf32> to vector<128x3246xf32>
    %add3A_77 = arith.addf %add3A_75, %slice3A_76 : vector<128x3246xf32>
    %slice3A_78 = vector.extract_strided_slice %dot_general3A_7 {offsets = [1408, 117], sizes = [128, 3246], strides = [1, 1]} : vector<2048x3392xf32> to vector<128x3246xf32>
    %add3A_79 = arith.addf %add3A_77, %slice3A_78 : vector<128x3246xf32>
    %max3A_80 = arith.constant 0.000000e+00 : f32
    %max3A_81 = vector.broadcast %max3A_80 : f32 to vector<128x3246xf32>
    %max3A_82 = arith.maximumf %add3A_79, %max3A_81 : vector<128x3246xf32>
    %get3A_83 = arith.constant 0 : index
    %get3A_84 = arith.constant 0 : index
    %get3A_85 = vector.load %arg4[%get3A_83, %get3A_84] : memref<1x3246xf32, #tpu.memory_space<vmem>>, vector<1x3246xf32>
    %mul3A_86 = vector.broadcast %get3A_85 : vector<1x3246xf32> to vector<128x3246xf32>
    %mul3A_87 = arith.mulf %max3A_82, %mul3A_86 : vector<128x3246xf32>
    %jit3A_88 = arith.constant 0 : i32
    %convert_element_type3A_89 = arith.sitofp %jit3A_88 : i32 to f32
    %pad3A_90 = vector.broadcast %convert_element_type3A_89 : f32 to vector<128x59xf32>
    %pad3A_91 = tpu.concatenate %pad3A_90, %mul3A_87 in 1 : vector<128x59xf32>, vector<128x3246xf32> -> vector<128x3305xf32>
    %pad3A_92 = vector.broadcast %convert_element_type3A_89 : f32 to vector<128x87xf32>
    %pad3A_93 = tpu.concatenate %pad3A_91, %pad3A_92 in 1 : vector<128x3305xf32>, vector<128x87xf32> -> vector<128x3392xf32>
    %swap3A_94 = arith.constant 0 : index
    %swap3A_95 = arith.constant 2 : index
    %swap3A_96 = arith.constant 0 : index
    %swap3A_97 = arith.constant 0 : index
    %swap3A_98 = vector.load %arg5[%swap3A_94, %swap3A_95, %swap3A_96, %swap3A_97] : memref<1x4x128x3392xf32, #tpu.memory_space<vmem>>, vector<1x1x128x3392xf32>
    %swap3A_99 = vector.shape_cast %swap3A_98 : vector<1x1x128x3392xf32> to vector<128x3392xf32>
    %swap3A_100 = vector.shape_cast %pad3A_93 : vector<128x3392xf32> to vector<1x1x128x3392xf32>
    tpu.vector_store %arg5[%swap3A_94, %swap3A_95, %swap3A_96, %swap3A_97], %swap3A_100 {strides = array<i32>} : memref<1x4x128x3392xf32, #tpu.memory_space<vmem>>, vector<1x1x128x3392xf32>,
    %get3A_101 = arith.constant 0 : index
    %get3A_102 = arith.constant 0 : index
    %get3A_103 = vector.load %arg3[%get3A_101, %get3A_102] : memref<128x1xf32, #tpu.memory_space<vmem>>, vector<128x1xf32>
    %broadcast_in_dim3A_104 = vector.shape_cast %get3A_103 : vector<128x1xf32> to vector<128x1xf32>
    %broadcast_in_dim3A_105 = vector.broadcast %broadcast_in_dim3A_104 : vector<128x1xf32> to vector<128x3246xf32>
    %slice3A_106 = vector.extract_strided_slice %dot_general3A_7 {offsets = [1536, 59], sizes = [128, 3246], strides = [1, 1]} : vector<2048x3392xf32> to vector<128x3246xf32>
    %add3A_107 = arith.addf %broadcast_in_dim3A_105, %slice3A_106 : vector<128x3246xf32>
    %slice3A_108 = vector.extract_strided_slice %dot_general3A_7 {offsets = [1664, 60], sizes = [128, 3246], strides = [1, 1]} : vector<2048x3392xf32> to vector<128x3246xf32>
    %add3A_109 = arith.addf %add3A_107, %slice3A_108 : vector<128x3246xf32>
    %slice3A_110 = vector.extract_strided_slice %dot_general3A_7 {offsets = [1792, 117], sizes = [128, 3246], strides = [1, 1]} : vector<2048x3392xf32> to vector<128x3246xf32>
    %add3A_111 = arith.addf %add3A_109, %slice3A_110 : vector<128x3246xf32>
    %slice3A_112 = vector.extract_strided_slice %dot_general3A_7 {offsets = [1920, 118], sizes = [128, 3246], strides = [1, 1]} : vector<2048x3392xf32> to vector<128x3246xf32>
    %add3A_113 = arith.addf %add3A_111, %slice3A_112 : vector<128x3246xf32>
    %max3A_114 = arith.constant 0.000000e+00 : f32
    %max3A_115 = vector.broadcast %max3A_114 : f32 to vector<128x3246xf32>
    %max3A_116 = arith.maximumf %add3A_113, %max3A_115 : vector<128x3246xf32>
    %get3A_117 = arith.constant 0 : index
    %get3A_118 = arith.constant 0 : index
    %get3A_119 = vector.load %arg4[%get3A_117, %get3A_118] : memref<1x3246xf32, #tpu.memory_space<vmem>>, vector<1x3246xf32>
    %mul3A_120 = vector.broadcast %get3A_119 : vector<1x3246xf32> to vector<128x3246xf32>
    %mul3A_121 = arith.mulf %max3A_116, %mul3A_120 : vector<128x3246xf32>
    %jit3A_122 = arith.constant 0 : i32
    %convert_element_type3A_123 = arith.sitofp %jit3A_122 : i32 to f32
    %pad3A_124 = vector.broadcast %convert_element_type3A_123 : f32 to vector<128x59xf32>
    %pad3A_125 = tpu.concatenate %pad3A_124, %mul3A_121 in 1 : vector<128x59xf32>, vector<128x3246xf32> -> vector<128x3305xf32>
    %pad3A_126 = vector.broadcast %convert_element_type3A_123 : f32 to vector<128x87xf32>
    %pad3A_127 = tpu.concatenate %pad3A_125, %pad3A_126 in 1 : vector<128x3305xf32>, vector<128x87xf32> -> vector<128x3392xf32>
    %swap3A_128 = arith.constant 0 : index
    %swap3A_129 = arith.constant 3 : index
    %swap3A_130 = arith.constant 0 : index
    %swap3A_131 = arith.constant 0 : index
    %swap3A_132 = vector.load %arg5[%swap3A_128, %swap3A_129, %swap3A_130, %swap3A_131] : memref<1x4x128x3392xf32, #tpu.memory_space<vmem>>, vector<1x1x128x3392xf32>
    %swap3A_133 = vector.shape_cast %swap3A_132 : vector<1x1x128x3392xf32> to vector<128x3392xf32>
    %swap3A_134 = vector.shape_cast %pad3A_127 : vector<128x3392xf32> to vector<1x1x128x3392xf32>
    tpu.vector_store %arg5[%swap3A_128, %swap3A_129, %swap3A_130, %swap3A_131], %swap3A_134 {strides = array<i32>} : memref<1x4x128x3392xf32, #tpu.memory_space<vmem>>, vector<1x1x128x3392xf32>,
    return
  }
  func.func @transform_0(%arg0: i32) -> (i32, i32, i32) {
    %c0_i32 = arith.constant 0 : i32
    %c0_i32_0 = arith.constant 0 : i32
    %c0_i32_1 = arith.constant 0 : i32
    return %arg0, %c0_i32, %c0_i32_0 : i32, i32, i32
  }
  func.func @transform_1(%arg0: i32) -> (i32, i32) {
    %c0_i32 = arith.constant 0 : i32
    %c0_i32_0 = arith.constant 0 : i32
    %c0_i32_1 = arith.constant 0 : i32
    return %c0_i32, %c0_i32_0 : i32, i32
  }
  func.func @transform_2(%arg0: i32) -> (i32, i32) {
    %c0_i32 = arith.constant 0 : i32
    %c0_i32_0 = arith.constant 0 : i32
    %c0_i32_1 = arith.constant 0 : i32
    return %c0_i32, %c0_i32_0 : i32, i32
  }
  func.func @transform_3(%arg0: i32) -> (i32, i32) {
    %c0_i32 = arith.constant 0 : i32
    %c0_i32_0 = arith.constant 0 : i32
    %c0_i32_1 = arith.constant 0 : i32
    return %c0_i32, %c0_i32_0 : i32, i32
  }
  func.func @transform_4(%arg0: i32) -> (i32, i32, i32, i32) {
    %c0_i32 = arith.constant 0 : i32
    %c0_i32_0 = arith.constant 0 : i32
    %c0_i32_1 = arith.constant 0 : i32
    %c0_i32_2 = arith.constant 0 : i32
    return %arg0, %c0_i32, %c0_i32_0, %c0_i32_1 : i32, i32, i32, i32
  }
}

module attributes {stable_mosaic.version = 14 : i64} {
  func.func @_dec2_kernel(%arg0: i32, %arg1: memref<1x4x128x3392xf32, #tpu.memory_space<vmem>>, %arg2: memref<128x128xf32, #tpu.memory_space<vmem>>, %arg3: memref<3x1xf32, #tpu.memory_space<vmem>>, %arg4: memref<1x16x3x3248xf32, #tpu.memory_space<vmem>>) attributes {dimension_semantics = [#tpu.dimension_semantics<arbitrary>], iteration_bounds = array<i64: 8>, scalar_prefetch = 0 : i64, scratch_operands = 0 : i64, tpu.core_type = #tpu.core_type<tc>, window_params = [{transform_indices = @transform_0, window_bounds = array<i64: 1, 4, 128, 3392>}, {pipeline_mode = #tpu.pipeline_mode<synchronous>, transform_indices = @transform_1, window_bounds = array<i64: 128, 128>}, {pipeline_mode = #tpu.pipeline_mode<synchronous>, transform_indices = @transform_2, window_bounds = array<i64: 3, 1>}, {transform_indices = @transform_3, window_bounds = array<i64: 1, 16, 3, 3248>}]} {
    %get3A = arith.constant 0 : index
    %get3A_0 = arith.constant 0 : index
    %get3A_1 = vector.load %arg2[%get3A, %get3A_0] : memref<128x128xf32, #tpu.memory_space<vmem>>, vector<128x128xf32>
    %get3A_2 = arith.constant 0 : index
    %get3A_3 = arith.constant 0 : index
    %get3A_4 = arith.constant 0 : index
    %get3A_5 = arith.constant 0 : index
    %get3A_6 = vector.load %arg1[%get3A_2, %get3A_3, %get3A_4, %get3A_5] : memref<1x4x128x3392xf32, #tpu.memory_space<vmem>>, vector<1x1x128x3392xf32>
    %get3A_7 = vector.shape_cast %get3A_6 : vector<1x1x128x3392xf32> to vector<128x3392xf32>
    %dot_general3A = arith.constant dense<0.000000e+00> : vector<128x3392xf32>
    %dot_general3A_8 = tpu.matmul %get3A_1, %get3A_7, %dot_general3A {dimension_numbers = #tpu.dot_dimension_numbers<[1], [0], [0], [1], [0, 0, 1, 1], [], []>, transpose_lhs_hint = false} : vector<128x128xf32>, vector<128x3392xf32>, vector<128x3392xf32> -> vector<128x3392xf32>
    %get3A_9 = arith.constant 0 : index
    %get3A_10 = arith.constant 0 : index
    %get3A_11 = vector.load %arg2[%get3A_9, %get3A_10] : memref<128x128xf32, #tpu.memory_space<vmem>>, vector<128x128xf32>
    %get3A_12 = arith.constant 0 : index
    %get3A_13 = arith.constant 1 : index
    %get3A_14 = arith.constant 0 : index
    %get3A_15 = arith.constant 0 : index
    %get3A_16 = vector.load %arg1[%get3A_12, %get3A_13, %get3A_14, %get3A_15] : memref<1x4x128x3392xf32, #tpu.memory_space<vmem>>, vector<1x1x128x3392xf32>
    %get3A_17 = vector.shape_cast %get3A_16 : vector<1x1x128x3392xf32> to vector<128x3392xf32>
    %dot_general3A_18 = arith.constant dense<0.000000e+00> : vector<128x3392xf32>
    %dot_general3A_19 = tpu.matmul %get3A_11, %get3A_17, %dot_general3A_18 {dimension_numbers = #tpu.dot_dimension_numbers<[1], [0], [0], [1], [0, 0, 1, 1], [], []>, transpose_lhs_hint = false} : vector<128x128xf32>, vector<128x3392xf32>, vector<128x3392xf32> -> vector<128x3392xf32>
    %get3A_20 = arith.constant 0 : index
    %get3A_21 = arith.constant 0 : index
    %get3A_22 = vector.load %arg2[%get3A_20, %get3A_21] : memref<128x128xf32, #tpu.memory_space<vmem>>, vector<128x128xf32>
    %get3A_23 = arith.constant 0 : index
    %get3A_24 = arith.constant 2 : index
    %get3A_25 = arith.constant 0 : index
    %get3A_26 = arith.constant 0 : index
    %get3A_27 = vector.load %arg1[%get3A_23, %get3A_24, %get3A_25, %get3A_26] : memref<1x4x128x3392xf32, #tpu.memory_space<vmem>>, vector<1x1x128x3392xf32>
    %get3A_28 = vector.shape_cast %get3A_27 : vector<1x1x128x3392xf32> to vector<128x3392xf32>
    %dot_general3A_29 = arith.constant dense<0.000000e+00> : vector<128x3392xf32>
    %dot_general3A_30 = tpu.matmul %get3A_22, %get3A_28, %dot_general3A_29 {dimension_numbers = #tpu.dot_dimension_numbers<[1], [0], [0], [1], [0, 0, 1, 1], [], []>, transpose_lhs_hint = false} : vector<128x128xf32>, vector<128x3392xf32>, vector<128x3392xf32> -> vector<128x3392xf32>
    %get3A_31 = arith.constant 0 : index
    %get3A_32 = arith.constant 0 : index
    %get3A_33 = vector.load %arg2[%get3A_31, %get3A_32] : memref<128x128xf32, #tpu.memory_space<vmem>>, vector<128x128xf32>
    %get3A_34 = arith.constant 0 : index
    %get3A_35 = arith.constant 3 : index
    %get3A_36 = arith.constant 0 : index
    %get3A_37 = arith.constant 0 : index
    %get3A_38 = vector.load %arg1[%get3A_34, %get3A_35, %get3A_36, %get3A_37] : memref<1x4x128x3392xf32, #tpu.memory_space<vmem>>, vector<1x1x128x3392xf32>
    %get3A_39 = vector.shape_cast %get3A_38 : vector<1x1x128x3392xf32> to vector<128x3392xf32>
    %dot_general3A_40 = arith.constant dense<0.000000e+00> : vector<128x3392xf32>
    %dot_general3A_41 = tpu.matmul %get3A_33, %get3A_39, %dot_general3A_40 {dimension_numbers = #tpu.dot_dimension_numbers<[1], [0], [0], [1], [0, 0, 1, 1], [], []>, transpose_lhs_hint = false} : vector<128x128xf32>, vector<128x3392xf32>, vector<128x3392xf32> -> vector<128x3392xf32>
    %get3A_42 = arith.constant 0 : index
    %get3A_43 = arith.constant 0 : index
    %get3A_44 = vector.load %arg3[%get3A_42, %get3A_43] : memref<3x1xf32, #tpu.memory_space<vmem>>, vector<3x1xf32>
    %broadcast_in_dim3A = vector.shape_cast %get3A_44 : vector<3x1xf32> to vector<3x1xf32>
    %broadcast_in_dim3A_45 = vector.broadcast %broadcast_in_dim3A : vector<3x1xf32> to vector<3x3248xf32>
    %slice3A = vector.extract_strided_slice %dot_general3A_41 {offsets = [0, 0], sizes = [3, 3248], strides = [1, 1]} : vector<128x3392xf32> to vector<3x3248xf32>
    %add3A = arith.addf %broadcast_in_dim3A_45, %slice3A : vector<3x3248xf32>
    %slice3A_46 = vector.extract_strided_slice %dot_general3A_30 {offsets = [16, 1], sizes = [3, 3248], strides = [1, 1]} : vector<128x3392xf32> to vector<3x3248xf32>
    %add3A_47 = arith.addf %add3A, %slice3A_46 : vector<3x3248xf32>
    %slice3A_48 = vector.extract_strided_slice %dot_general3A_19 {offsets = [64, 58], sizes = [3, 3248], strides = [1, 1]} : vector<128x3392xf32> to vector<3x3248xf32>
    %add3A_49 = arith.addf %add3A_47, %slice3A_48 : vector<3x3248xf32>
    %slice3A_50 = vector.extract_strided_slice %dot_general3A_8 {offsets = [80, 59], sizes = [3, 3248], strides = [1, 1]} : vector<128x3392xf32> to vector<3x3248xf32>
    %add3A_51 = arith.addf %add3A_49, %slice3A_50 : vector<3x3248xf32>
    %swap3A = arith.constant 0 : index
    %swap3A_52 = arith.constant 0 : index
    %swap3A_53 = arith.constant 0 : index
    %swap3A_54 = arith.constant 0 : index
    %swap3A_55 = vector.load %arg4[%swap3A, %swap3A_52, %swap3A_53, %swap3A_54] : memref<1x16x3x3248xf32, #tpu.memory_space<vmem>>, vector<1x1x3x3248xf32>
    %swap3A_56 = vector.shape_cast %swap3A_55 : vector<1x1x3x3248xf32> to vector<3x3248xf32>
    %swap3A_57 = vector.shape_cast %add3A_51 : vector<3x3248xf32> to vector<1x1x3x3248xf32>
    tpu.vector_store %arg4[%swap3A, %swap3A_52, %swap3A_53, %swap3A_54], %swap3A_57 {strides = array<i32>} : memref<1x16x3x3248xf32, #tpu.memory_space<vmem>>, vector<1x1x3x3248xf32>,
    %get3A_58 = arith.constant 0 : index
    %get3A_59 = arith.constant 0 : index
    %get3A_60 = vector.load %arg3[%get3A_58, %get3A_59] : memref<3x1xf32, #tpu.memory_space<vmem>>, vector<3x1xf32>
    %broadcast_in_dim3A_61 = vector.shape_cast %get3A_60 : vector<3x1xf32> to vector<3x1xf32>
    %broadcast_in_dim3A_62 = vector.broadcast %broadcast_in_dim3A_61 : vector<3x1xf32> to vector<3x3248xf32>
    %slice3A_63 = vector.extract_strided_slice %dot_general3A_30 {offsets = [8, 1], sizes = [3, 3248], strides = [1, 1]} : vector<128x3392xf32> to vector<3x3248xf32>
    %add3A_64 = arith.addf %broadcast_in_dim3A_62, %slice3A_63 : vector<3x3248xf32>
    %slice3A_65 = vector.extract_strided_slice %dot_general3A_41 {offsets = [24, 1], sizes = [3, 3248], strides = [1, 1]} : vector<128x3392xf32> to vector<3x3248xf32>
    %add3A_66 = arith.addf %add3A_64, %slice3A_65 : vector<3x3248xf32>
    %slice3A_67 = vector.extract_strided_slice %dot_general3A_8 {offsets = [72, 59], sizes = [3, 3248], strides = [1, 1]} : vector<128x3392xf32> to vector<3x3248xf32>
    %add3A_68 = arith.addf %add3A_66, %slice3A_67 : vector<3x3248xf32>
    %slice3A_69 = vector.extract_strided_slice %dot_general3A_19 {offsets = [88, 59], sizes = [3, 3248], strides = [1, 1]} : vector<128x3392xf32> to vector<3x3248xf32>
    %add3A_70 = arith.addf %add3A_68, %slice3A_69 : vector<3x3248xf32>
    %swap3A_71 = arith.constant 0 : index
    %swap3A_72 = arith.constant 1 : index
    %swap3A_73 = arith.constant 0 : index
    %swap3A_74 = arith.constant 0 : index
    %swap3A_75 = vector.load %arg4[%swap3A_71, %swap3A_72, %swap3A_73, %swap3A_74] : memref<1x16x3x3248xf32, #tpu.memory_space<vmem>>, vector<1x1x3x3248xf32>
    %swap3A_76 = vector.shape_cast %swap3A_75 : vector<1x1x3x3248xf32> to vector<3x3248xf32>
    %swap3A_77 = vector.shape_cast %add3A_70 : vector<3x3248xf32> to vector<1x1x3x3248xf32>
    tpu.vector_store %arg4[%swap3A_71, %swap3A_72, %swap3A_73, %swap3A_74], %swap3A_77 {strides = array<i32>} : memref<1x16x3x3248xf32, #tpu.memory_space<vmem>>, vector<1x1x3x3248xf32>,
    %get3A_78 = arith.constant 0 : index
    %get3A_79 = arith.constant 0 : index
    %get3A_80 = vector.load %arg3[%get3A_78, %get3A_79] : memref<3x1xf32, #tpu.memory_space<vmem>>, vector<3x1xf32>
    %broadcast_in_dim3A_81 = vector.shape_cast %get3A_80 : vector<3x1xf32> to vector<3x1xf32>
    %broadcast_in_dim3A_82 = vector.broadcast %broadcast_in_dim3A_81 : vector<3x1xf32> to vector<3x3248xf32>
    %slice3A_83 = vector.extract_strided_slice %dot_general3A_30 {offsets = [0, 1], sizes = [3, 3248], strides = [1, 1]} : vector<128x3392xf32> to vector<3x3248xf32>
    %add3A_84 = arith.addf %broadcast_in_dim3A_82, %slice3A_83 : vector<3x3248xf32>
    %slice3A_85 = vector.extract_strided_slice %dot_general3A_41 {offsets = [16, 1], sizes = [3, 3248], strides = [1, 1]} : vector<128x3392xf32> to vector<3x3248xf32>
    %add3A_86 = arith.addf %add3A_84, %slice3A_85 : vector<3x3248xf32>
    %slice3A_87 = vector.extract_strided_slice %dot_general3A_8 {offsets = [64, 59], sizes = [3, 3248], strides = [1, 1]} : vector<128x3392xf32> to vector<3x3248xf32>
    %add3A_88 = arith.addf %add3A_86, %slice3A_87 : vector<3x3248xf32>
    %slice3A_89 = vector.extract_strided_slice %dot_general3A_19 {offsets = [80, 59], sizes = [3, 3248], strides = [1, 1]} : vector<128x3392xf32> to vector<3x3248xf32>
    %add3A_90 = arith.addf %add3A_88, %slice3A_89 : vector<3x3248xf32>
    %swap3A_91 = arith.constant 0 : index
    %swap3A_92 = arith.constant 2 : index
    %swap3A_93 = arith.constant 0 : index
    %swap3A_94 = arith.constant 0 : index
    %swap3A_95 = vector.load %arg4[%swap3A_91, %swap3A_92, %swap3A_93, %swap3A_94] : memref<1x16x3x3248xf32, #tpu.memory_space<vmem>>, vector<1x1x3x3248xf32>
    %swap3A_96 = vector.shape_cast %swap3A_95 : vector<1x1x3x3248xf32> to vector<3x3248xf32>
    %swap3A_97 = vector.shape_cast %add3A_90 : vector<3x3248xf32> to vector<1x1x3x3248xf32>
    tpu.vector_store %arg4[%swap3A_91, %swap3A_92, %swap3A_93, %swap3A_94], %swap3A_97 {strides = array<i32>} : memref<1x16x3x3248xf32, #tpu.memory_space<vmem>>, vector<1x1x3x3248xf32>,
    %get3A_98 = arith.constant 0 : index
    %get3A_99 = arith.constant 0 : index
    %get3A_100 = vector.load %arg3[%get3A_98, %get3A_99] : memref<3x1xf32, #tpu.memory_space<vmem>>, vector<3x1xf32>
    %broadcast_in_dim3A_101 = vector.shape_cast %get3A_100 : vector<3x1xf32> to vector<3x1xf32>
    %broadcast_in_dim3A_102 = vector.broadcast %broadcast_in_dim3A_101 : vector<3x1xf32> to vector<3x3248xf32>
    %slice3A_103 = vector.extract_strided_slice %dot_general3A_41 {offsets = [8, 1], sizes = [3, 3248], strides = [1, 1]} : vector<128x3392xf32> to vector<3x3248xf32>
    %add3A_104 = arith.addf %broadcast_in_dim3A_102, %slice3A_103 : vector<3x3248xf32>
    %slice3A_105 = vector.extract_strided_slice %dot_general3A_30 {offsets = [24, 2], sizes = [3, 3248], strides = [1, 1]} : vector<128x3392xf32> to vector<3x3248xf32>
    %add3A_106 = arith.addf %add3A_104, %slice3A_105 : vector<3x3248xf32>
    %slice3A_107 = vector.extract_strided_slice %dot_general3A_19 {offsets = [72, 59], sizes = [3, 3248], strides = [1, 1]} : vector<128x3392xf32> to vector<3x3248xf32>
    %add3A_108 = arith.addf %add3A_106, %slice3A_107 : vector<3x3248xf32>
    %slice3A_109 = vector.extract_strided_slice %dot_general3A_8 {offsets = [88, 60], sizes = [3, 3248], strides = [1, 1]} : vector<128x3392xf32> to vector<3x3248xf32>
    %add3A_110 = arith.addf %add3A_108, %slice3A_109 : vector<3x3248xf32>
    %swap3A_111 = arith.constant 0 : index
    %swap3A_112 = arith.constant 3 : index
    %swap3A_113 = arith.constant 0 : index
    %swap3A_114 = arith.constant 0 : index
    %swap3A_115 = vector.load %arg4[%swap3A_111, %swap3A_112, %swap3A_113, %swap3A_114] : memref<1x16x3x3248xf32, #tpu.memory_space<vmem>>, vector<1x1x3x3248xf32>
    %swap3A_116 = vector.shape_cast %swap3A_115 : vector<1x1x3x3248xf32> to vector<3x3248xf32>
    %swap3A_117 = vector.shape_cast %add3A_110 : vector<3x3248xf32> to vector<1x1x3x3248xf32>
    tpu.vector_store %arg4[%swap3A_111, %swap3A_112, %swap3A_113, %swap3A_114], %swap3A_117 {strides = array<i32>} : memref<1x16x3x3248xf32, #tpu.memory_space<vmem>>, vector<1x1x3x3248xf32>,
    %get3A_118 = arith.constant 0 : index
    %get3A_119 = arith.constant 0 : index
    %get3A_120 = vector.load %arg3[%get3A_118, %get3A_119] : memref<3x1xf32, #tpu.memory_space<vmem>>, vector<3x1xf32>
    %broadcast_in_dim3A_121 = vector.shape_cast %get3A_120 : vector<3x1xf32> to vector<3x1xf32>
    %broadcast_in_dim3A_122 = vector.broadcast %broadcast_in_dim3A_121 : vector<3x1xf32> to vector<3x3248xf32>
    %slice3A_123 = vector.extract_strided_slice %dot_general3A_19 {offsets = [32, 58], sizes = [3, 3248], strides = [1, 1]} : vector<128x3392xf32> to vector<3x3248xf32>
    %add3A_124 = arith.addf %broadcast_in_dim3A_122, %slice3A_123 : vector<3x3248xf32>
    %slice3A_125 = vector.extract_strided_slice %dot_general3A_8 {offsets = [48, 59], sizes = [3, 3248], strides = [1, 1]} : vector<128x3392xf32> to vector<3x3248xf32>
    %add3A_126 = arith.addf %add3A_124, %slice3A_125 : vector<3x3248xf32>
    %slice3A_127 = vector.extract_strided_slice %dot_general3A_41 {offsets = [96, 58], sizes = [3, 3248], strides = [1, 1]} : vector<128x3392xf32> to vector<3x3248xf32>
    %add3A_128 = arith.addf %add3A_126, %slice3A_127 : vector<3x3248xf32>
    %slice3A_129 = vector.extract_strided_slice %dot_general3A_30 {offsets = [112, 59], sizes = [3, 3248], strides = [1, 1]} : vector<128x3392xf32> to vector<3x3248xf32>
    %add3A_130 = arith.addf %add3A_128, %slice3A_129 : vector<3x3248xf32>
    %swap3A_131 = arith.constant 0 : index
    %swap3A_132 = arith.constant 4 : index
    %swap3A_133 = arith.constant 0 : index
    %swap3A_134 = arith.constant 0 : index
    %swap3A_135 = vector.load %arg4[%swap3A_131, %swap3A_132, %swap3A_133, %swap3A_134] : memref<1x16x3x3248xf32, #tpu.memory_space<vmem>>, vector<1x1x3x3248xf32>
    %swap3A_136 = vector.shape_cast %swap3A_135 : vector<1x1x3x3248xf32> to vector<3x3248xf32>
    %swap3A_137 = vector.shape_cast %add3A_130 : vector<3x3248xf32> to vector<1x1x3x3248xf32>
    tpu.vector_store %arg4[%swap3A_131, %swap3A_132, %swap3A_133, %swap3A_134], %swap3A_137 {strides = array<i32>} : memref<1x16x3x3248xf32, #tpu.memory_space<vmem>>, vector<1x1x3x3248xf32>,
    %get3A_138 = arith.constant 0 : index
    %get3A_139 = arith.constant 0 : index
    %get3A_140 = vector.load %arg3[%get3A_138, %get3A_139] : memref<3x1xf32, #tpu.memory_space<vmem>>, vector<3x1xf32>
    %broadcast_in_dim3A_141 = vector.shape_cast %get3A_140 : vector<3x1xf32> to vector<3x1xf32>
    %broadcast_in_dim3A_142 = vector.broadcast %broadcast_in_dim3A_141 : vector<3x1xf32> to vector<3x3248xf32>
    %slice3A_143 = vector.extract_strided_slice %dot_general3A_8 {offsets = [40, 59], sizes = [3, 3248], strides = [1, 1]} : vector<128x3392xf32> to vector<3x3248xf32>
    %add3A_144 = arith.addf %broadcast_in_dim3A_142, %slice3A_143 : vector<3x3248xf32>
    %slice3A_145 = vector.extract_strided_slice %dot_general3A_19 {offsets = [56, 59], sizes = [3, 3248], strides = [1, 1]} : vector<128x3392xf32> to vector<3x3248xf32>
    %add3A_146 = arith.addf %add3A_144, %slice3A_145 : vector<3x3248xf32>
    %slice3A_147 = vector.extract_strided_slice %dot_general3A_30 {offsets = [104, 59], sizes = [3, 3248], strides = [1, 1]} : vector<128x3392xf32> to vector<3x3248xf32>
    %add3A_148 = arith.addf %add3A_146, %slice3A_147 : vector<3x3248xf32>
    %slice3A_149 = vector.extract_strided_slice %dot_general3A_41 {offsets = [120, 59], sizes = [3, 3248], strides = [1, 1]} : vector<128x3392xf32> to vector<3x3248xf32>
    %add3A_150 = arith.addf %add3A_148, %slice3A_149 : vector<3x3248xf32>
    %swap3A_151 = arith.constant 0 : index
    %swap3A_152 = arith.constant 5 : index
    %swap3A_153 = arith.constant 0 : index
    %swap3A_154 = arith.constant 0 : index
    %swap3A_155 = vector.load %arg4[%swap3A_151, %swap3A_152, %swap3A_153, %swap3A_154] : memref<1x16x3x3248xf32, #tpu.memory_space<vmem>>, vector<1x1x3x3248xf32>
    %swap3A_156 = vector.shape_cast %swap3A_155 : vector<1x1x3x3248xf32> to vector<3x3248xf32>
    %swap3A_157 = vector.shape_cast %add3A_150 : vector<3x3248xf32> to vector<1x1x3x3248xf32>
    tpu.vector_store %arg4[%swap3A_151, %swap3A_152, %swap3A_153, %swap3A_154], %swap3A_157 {strides = array<i32>} : memref<1x16x3x3248xf32, #tpu.memory_space<vmem>>, vector<1x1x3x3248xf32>,
    %get3A_158 = arith.constant 0 : index
    %get3A_159 = arith.constant 0 : index
    %get3A_160 = vector.load %arg3[%get3A_158, %get3A_159] : memref<3x1xf32, #tpu.memory_space<vmem>>, vector<3x1xf32>
    %broadcast_in_dim3A_161 = vector.shape_cast %get3A_160 : vector<3x1xf32> to vector<3x1xf32>
    %broadcast_in_dim3A_162 = vector.broadcast %broadcast_in_dim3A_161 : vector<3x1xf32> to vector<3x3248xf32>
    %slice3A_163 = vector.extract_strided_slice %dot_general3A_8 {offsets = [32, 59], sizes = [3, 3248], strides = [1, 1]} : vector<128x3392xf32> to vector<3x3248xf32>
    %add3A_164 = arith.addf %broadcast_in_dim3A_162, %slice3A_163 : vector<3x3248xf32>
    %slice3A_165 = vector.extract_strided_slice %dot_general3A_19 {offsets = [48, 59], sizes = [3, 3248], strides = [1, 1]} : vector<128x3392xf32> to vector<3x3248xf32>
    %add3A_166 = arith.addf %add3A_164, %slice3A_165 : vector<3x3248xf32>
    %slice3A_167 = vector.extract_strided_slice %dot_general3A_30 {offsets = [96, 59], sizes = [3, 3248], strides = [1, 1]} : vector<128x3392xf32> to vector<3x3248xf32>
    %add3A_168 = arith.addf %add3A_166, %slice3A_167 : vector<3x3248xf32>
    %slice3A_169 = vector.extract_strided_slice %dot_general3A_41 {offsets = [112, 59], sizes = [3, 3248], strides = [1, 1]} : vector<128x3392xf32> to vector<3x3248xf32>
    %add3A_170 = arith.addf %add3A_168, %slice3A_169 : vector<3x3248xf32>
    %swap3A_171 = arith.constant 0 : index
    %swap3A_172 = arith.constant 6 : index
    %swap3A_173 = arith.constant 0 : index
    %swap3A_174 = arith.constant 0 : index
    %swap3A_175 = vector.load %arg4[%swap3A_171, %swap3A_172, %swap3A_173, %swap3A_174] : memref<1x16x3x3248xf32, #tpu.memory_space<vmem>>, vector<1x1x3x3248xf32>
    %swap3A_176 = vector.shape_cast %swap3A_175 : vector<1x1x3x3248xf32> to vector<3x3248xf32>
    %swap3A_177 = vector.shape_cast %add3A_170 : vector<3x3248xf32> to vector<1x1x3x3248xf32>
    tpu.vector_store %arg4[%swap3A_171, %swap3A_172, %swap3A_173, %swap3A_174], %swap3A_177 {strides = array<i32>} : memref<1x16x3x3248xf32, #tpu.memory_space<vmem>>, vector<1x1x3x3248xf32>,
    %get3A_178 = arith.constant 0 : index
    %get3A_179 = arith.constant 0 : index
    %get3A_180 = vector.load %arg3[%get3A_178, %get3A_179] : memref<3x1xf32, #tpu.memory_space<vmem>>, vector<3x1xf32>
    %broadcast_in_dim3A_181 = vector.shape_cast %get3A_180 : vector<3x1xf32> to vector<3x1xf32>
    %broadcast_in_dim3A_182 = vector.broadcast %broadcast_in_dim3A_181 : vector<3x1xf32> to vector<3x3248xf32>
    %slice3A_183 = vector.extract_strided_slice %dot_general3A_19 {offsets = [40, 59], sizes = [3, 3248], strides = [1, 1]} : vector<128x3392xf32> to vector<3x3248xf32>
    %add3A_184 = arith.addf %broadcast_in_dim3A_182, %slice3A_183 : vector<3x3248xf32>
    %slice3A_185 = vector.extract_strided_slice %dot_general3A_8 {offsets = [56, 60], sizes = [3, 3248], strides = [1, 1]} : vector<128x3392xf32> to vector<3x3248xf32>
    %add3A_186 = arith.addf %add3A_184, %slice3A_185 : vector<3x3248xf32>
    %slice3A_187 = vector.extract_strided_slice %dot_general3A_41 {offsets = [104, 59], sizes = [3, 3248], strides = [1, 1]} : vector<128x3392xf32> to vector<3x3248xf32>
    %add3A_188 = arith.addf %add3A_186, %slice3A_187 : vector<3x3248xf32>
    %slice3A_189 = vector.extract_strided_slice %dot_general3A_30 {offsets = [120, 60], sizes = [3, 3248], strides = [1, 1]} : vector<128x3392xf32> to vector<3x3248xf32>
    %add3A_190 = arith.addf %add3A_188, %slice3A_189 : vector<3x3248xf32>
    %swap3A_191 = arith.constant 0 : index
    %swap3A_192 = arith.constant 7 : index
    %swap3A_193 = arith.constant 0 : index
    %swap3A_194 = arith.constant 0 : index
    %swap3A_195 = vector.load %arg4[%swap3A_191, %swap3A_192, %swap3A_193, %swap3A_194] : memref<1x16x3x3248xf32, #tpu.memory_space<vmem>>, vector<1x1x3x3248xf32>
    %swap3A_196 = vector.shape_cast %swap3A_195 : vector<1x1x3x3248xf32> to vector<3x3248xf32>
    %swap3A_197 = vector.shape_cast %add3A_190 : vector<3x3248xf32> to vector<1x1x3x3248xf32>
    tpu.vector_store %arg4[%swap3A_191, %swap3A_192, %swap3A_193, %swap3A_194], %swap3A_197 {strides = array<i32>} : memref<1x16x3x3248xf32, #tpu.memory_space<vmem>>, vector<1x1x3x3248xf32>,
    %get3A_198 = arith.constant 0 : index
    %get3A_199 = arith.constant 0 : index
    %get3A_200 = vector.load %arg3[%get3A_198, %get3A_199] : memref<3x1xf32, #tpu.memory_space<vmem>>, vector<3x1xf32>
    %broadcast_in_dim3A_201 = vector.shape_cast %get3A_200 : vector<3x1xf32> to vector<3x1xf32>
    %broadcast_in_dim3A_202 = vector.broadcast %broadcast_in_dim3A_201 : vector<3x1xf32> to vector<3x3248xf32>
    %slice3A_203 = vector.extract_strided_slice %dot_general3A_19 {offsets = [0, 58], sizes = [3, 3248], strides = [1, 1]} : vector<128x3392xf32> to vector<3x3248xf32>
    %add3A_204 = arith.addf %broadcast_in_dim3A_202, %slice3A_203 : vector<3x3248xf32>
    %slice3A_205 = vector.extract_strided_slice %dot_general3A_8 {offsets = [16, 59], sizes = [3, 3248], strides = [1, 1]} : vector<128x3392xf32> to vector<3x3248xf32>
    %add3A_206 = arith.addf %add3A_204, %slice3A_205 : vector<3x3248xf32>
    %slice3A_207 = vector.extract_strided_slice %dot_general3A_41 {offsets = [64, 58], sizes = [3, 3248], strides = [1, 1]} : vector<128x3392xf32> to vector<3x3248xf32>
    %add3A_208 = arith.addf %add3A_206, %slice3A_207 : vector<3x3248xf32>
    %slice3A_209 = vector.extract_strided_slice %dot_general3A_30 {offsets = [80, 59], sizes = [3, 3248], strides = [1, 1]} : vector<128x3392xf32> to vector<3x3248xf32>
    %add3A_210 = arith.addf %add3A_208, %slice3A_209 : vector<3x3248xf32>
    %swap3A_211 = arith.constant 0 : index
    %swap3A_212 = arith.constant 8 : index
    %swap3A_213 = arith.constant 0 : index
    %swap3A_214 = arith.constant 0 : index
    %swap3A_215 = vector.load %arg4[%swap3A_211, %swap3A_212, %swap3A_213, %swap3A_214] : memref<1x16x3x3248xf32, #tpu.memory_space<vmem>>, vector<1x1x3x3248xf32>
    %swap3A_216 = vector.shape_cast %swap3A_215 : vector<1x1x3x3248xf32> to vector<3x3248xf32>
    %swap3A_217 = vector.shape_cast %add3A_210 : vector<3x3248xf32> to vector<1x1x3x3248xf32>
    tpu.vector_store %arg4[%swap3A_211, %swap3A_212, %swap3A_213, %swap3A_214], %swap3A_217 {strides = array<i32>} : memref<1x16x3x3248xf32, #tpu.memory_space<vmem>>, vector<1x1x3x3248xf32>,
    %get3A_218 = arith.constant 0 : index
    %get3A_219 = arith.constant 0 : index
    %get3A_220 = vector.load %arg3[%get3A_218, %get3A_219] : memref<3x1xf32, #tpu.memory_space<vmem>>, vector<3x1xf32>
    %broadcast_in_dim3A_221 = vector.shape_cast %get3A_220 : vector<3x1xf32> to vector<3x1xf32>
    %broadcast_in_dim3A_222 = vector.broadcast %broadcast_in_dim3A_221 : vector<3x1xf32> to vector<3x3248xf32>
    %slice3A_223 = vector.extract_strided_slice %dot_general3A_8 {offsets = [8, 59], sizes = [3, 3248], strides = [1, 1]} : vector<128x3392xf32> to vector<3x3248xf32>
    %add3A_224 = arith.addf %broadcast_in_dim3A_222, %slice3A_223 : vector<3x3248xf32>
    %slice3A_225 = vector.extract_strided_slice %dot_general3A_19 {offsets = [24, 59], sizes = [3, 3248], strides = [1, 1]} : vector<128x3392xf32> to vector<3x3248xf32>
    %add3A_226 = arith.addf %add3A_224, %slice3A_225 : vector<3x3248xf32>
    %slice3A_227 = vector.extract_strided_slice %dot_general3A_30 {offsets = [72, 59], sizes = [3, 3248], strides = [1, 1]} : vector<128x3392xf32> to vector<3x3248xf32>
    %add3A_228 = arith.addf %add3A_226, %slice3A_227 : vector<3x3248xf32>
    %slice3A_229 = vector.extract_strided_slice %dot_general3A_41 {offsets = [88, 59], sizes = [3, 3248], strides = [1, 1]} : vector<128x3392xf32> to vector<3x3248xf32>
    %add3A_230 = arith.addf %add3A_228, %slice3A_229 : vector<3x3248xf32>
    %swap3A_231 = arith.constant 0 : index
    %swap3A_232 = arith.constant 9 : index
    %swap3A_233 = arith.constant 0 : index
    %swap3A_234 = arith.constant 0 : index
    %swap3A_235 = vector.load %arg4[%swap3A_231, %swap3A_232, %swap3A_233, %swap3A_234] : memref<1x16x3x3248xf32, #tpu.memory_space<vmem>>, vector<1x1x3x3248xf32>
    %swap3A_236 = vector.shape_cast %swap3A_235 : vector<1x1x3x3248xf32> to vector<3x3248xf32>
    %swap3A_237 = vector.shape_cast %add3A_230 : vector<3x3248xf32> to vector<1x1x3x3248xf32>
    tpu.vector_store %arg4[%swap3A_231, %swap3A_232, %swap3A_233, %swap3A_234], %swap3A_237 {strides = array<i32>} : memref<1x16x3x3248xf32, #tpu.memory_space<vmem>>, vector<1x1x3x3248xf32>,
    %get3A_238 = arith.constant 0 : index
    %get3A_239 = arith.constant 0 : index
    %get3A_240 = vector.load %arg3[%get3A_238, %get3A_239] : memref<3x1xf32, #tpu.memory_space<vmem>>, vector<3x1xf32>
    %broadcast_in_dim3A_241 = vector.shape_cast %get3A_240 : vector<3x1xf32> to vector<3x1xf32>
    %broadcast_in_dim3A_242 = vector.broadcast %broadcast_in_dim3A_241 : vector<3x1xf32> to vector<3x3248xf32>
    %slice3A_243 = vector.extract_strided_slice %dot_general3A_8 {offsets = [0, 59], sizes = [3, 3248], strides = [1, 1]} : vector<128x3392xf32> to vector<3x3248xf32>
    %add3A_244 = arith.addf %broadcast_in_dim3A_242, %slice3A_243 : vector<3x3248xf32>
    %slice3A_245 = vector.extract_strided_slice %dot_general3A_19 {offsets = [16, 59], sizes = [3, 3248], strides = [1, 1]} : vector<128x3392xf32> to vector<3x3248xf32>
    %add3A_246 = arith.addf %add3A_244, %slice3A_245 : vector<3x3248xf32>
    %slice3A_247 = vector.extract_strided_slice %dot_general3A_30 {offsets = [64, 59], sizes = [3, 3248], strides = [1, 1]} : vector<128x3392xf32> to vector<3x3248xf32>
    %add3A_248 = arith.addf %add3A_246, %slice3A_247 : vector<3x3248xf32>
    %slice3A_249 = vector.extract_strided_slice %dot_general3A_41 {offsets = [80, 59], sizes = [3, 3248], strides = [1, 1]} : vector<128x3392xf32> to vector<3x3248xf32>
    %add3A_250 = arith.addf %add3A_248, %slice3A_249 : vector<3x3248xf32>
    %swap3A_251 = arith.constant 0 : index
    %swap3A_252 = arith.constant 10 : index
    %swap3A_253 = arith.constant 0 : index
    %swap3A_254 = arith.constant 0 : index
    %swap3A_255 = vector.load %arg4[%swap3A_251, %swap3A_252, %swap3A_253, %swap3A_254] : memref<1x16x3x3248xf32, #tpu.memory_space<vmem>>, vector<1x1x3x3248xf32>
    %swap3A_256 = vector.shape_cast %swap3A_255 : vector<1x1x3x3248xf32> to vector<3x3248xf32>
    %swap3A_257 = vector.shape_cast %add3A_250 : vector<3x3248xf32> to vector<1x1x3x3248xf32>
    tpu.vector_store %arg4[%swap3A_251, %swap3A_252, %swap3A_253, %swap3A_254], %swap3A_257 {strides = array<i32>} : memref<1x16x3x3248xf32, #tpu.memory_space<vmem>>, vector<1x1x3x3248xf32>,
    %get3A_258 = arith.constant 0 : index
    %get3A_259 = arith.constant 0 : index
    %get3A_260 = vector.load %arg3[%get3A_258, %get3A_259] : memref<3x1xf32, #tpu.memory_space<vmem>>, vector<3x1xf32>
    %broadcast_in_dim3A_261 = vector.shape_cast %get3A_260 : vector<3x1xf32> to vector<3x1xf32>
    %broadcast_in_dim3A_262 = vector.broadcast %broadcast_in_dim3A_261 : vector<3x1xf32> to vector<3x3248xf32>
    %slice3A_263 = vector.extract_strided_slice %dot_general3A_19 {offsets = [8, 59], sizes = [3, 3248], strides = [1, 1]} : vector<128x3392xf32> to vector<3x3248xf32>
    %add3A_264 = arith.addf %broadcast_in_dim3A_262, %slice3A_263 : vector<3x3248xf32>
    %slice3A_265 = vector.extract_strided_slice %dot_general3A_8 {offsets = [24, 60], sizes = [3, 3248], strides = [1, 1]} : vector<128x3392xf32> to vector<3x3248xf32>
    %add3A_266 = arith.addf %add3A_264, %slice3A_265 : vector<3x3248xf32>
    %slice3A_267 = vector.extract_strided_slice %dot_general3A_41 {offsets = [72, 59], sizes = [3, 3248], strides = [1, 1]} : vector<128x3392xf32> to vector<3x3248xf32>
    %add3A_268 = arith.addf %add3A_266, %slice3A_267 : vector<3x3248xf32>
    %slice3A_269 = vector.extract_strided_slice %dot_general3A_30 {offsets = [88, 60], sizes = [3, 3248], strides = [1, 1]} : vector<128x3392xf32> to vector<3x3248xf32>
    %add3A_270 = arith.addf %add3A_268, %slice3A_269 : vector<3x3248xf32>
    %swap3A_271 = arith.constant 0 : index
    %swap3A_272 = arith.constant 11 : index
    %swap3A_273 = arith.constant 0 : index
    %swap3A_274 = arith.constant 0 : index
    %swap3A_275 = vector.load %arg4[%swap3A_271, %swap3A_272, %swap3A_273, %swap3A_274] : memref<1x16x3x3248xf32, #tpu.memory_space<vmem>>, vector<1x1x3x3248xf32>
    %swap3A_276 = vector.shape_cast %swap3A_275 : vector<1x1x3x3248xf32> to vector<3x3248xf32>
    %swap3A_277 = vector.shape_cast %add3A_270 : vector<3x3248xf32> to vector<1x1x3x3248xf32>
    tpu.vector_store %arg4[%swap3A_271, %swap3A_272, %swap3A_273, %swap3A_274], %swap3A_277 {strides = array<i32>} : memref<1x16x3x3248xf32, #tpu.memory_space<vmem>>, vector<1x1x3x3248xf32>,
    %get3A_278 = arith.constant 0 : index
    %get3A_279 = arith.constant 0 : index
    %get3A_280 = vector.load %arg3[%get3A_278, %get3A_279] : memref<3x1xf32, #tpu.memory_space<vmem>>, vector<3x1xf32>
    %broadcast_in_dim3A_281 = vector.shape_cast %get3A_280 : vector<3x1xf32> to vector<3x1xf32>
    %broadcast_in_dim3A_282 = vector.broadcast %broadcast_in_dim3A_281 : vector<3x1xf32> to vector<3x3248xf32>
    %slice3A_283 = vector.extract_strided_slice %dot_general3A_41 {offsets = [32, 58], sizes = [3, 3248], strides = [1, 1]} : vector<128x3392xf32> to vector<3x3248xf32>
    %add3A_284 = arith.addf %broadcast_in_dim3A_282, %slice3A_283 : vector<3x3248xf32>
    %slice3A_285 = vector.extract_strided_slice %dot_general3A_30 {offsets = [48, 59], sizes = [3, 3248], strides = [1, 1]} : vector<128x3392xf32> to vector<3x3248xf32>
    %add3A_286 = arith.addf %add3A_284, %slice3A_285 : vector<3x3248xf32>
    %slice3A_287 = vector.extract_strided_slice %dot_general3A_19 {offsets = [96, 116], sizes = [3, 3248], strides = [1, 1]} : vector<128x3392xf32> to vector<3x3248xf32>
    %add3A_288 = arith.addf %add3A_286, %slice3A_287 : vector<3x3248xf32>
    %slice3A_289 = vector.extract_strided_slice %dot_general3A_8 {offsets = [112, 117], sizes = [3, 3248], strides = [1, 1]} : vector<128x3392xf32> to vector<3x3248xf32>
    %add3A_290 = arith.addf %add3A_288, %slice3A_289 : vector<3x3248xf32>
    %swap3A_291 = arith.constant 0 : index
    %swap3A_292 = arith.constant 12 : index
    %swap3A_293 = arith.constant 0 : index
    %swap3A_294 = arith.constant 0 : index
    %swap3A_295 = vector.load %arg4[%swap3A_291, %swap3A_292, %swap3A_293, %swap3A_294] : memref<1x16x3x3248xf32, #tpu.memory_space<vmem>>, vector<1x1x3x3248xf32>
    %swap3A_296 = vector.shape_cast %swap3A_295 : vector<1x1x3x3248xf32> to vector<3x3248xf32>
    %swap3A_297 = vector.shape_cast %add3A_290 : vector<3x3248xf32> to vector<1x1x3x3248xf32>
    tpu.vector_store %arg4[%swap3A_291, %swap3A_292, %swap3A_293, %swap3A_294], %swap3A_297 {strides = array<i32>} : memref<1x16x3x3248xf32, #tpu.memory_space<vmem>>, vector<1x1x3x3248xf32>,
    %get3A_298 = arith.constant 0 : index
    %get3A_299 = arith.constant 0 : index
    %get3A_300 = vector.load %arg3[%get3A_298, %get3A_299] : memref<3x1xf32, #tpu.memory_space<vmem>>, vector<3x1xf32>
    %broadcast_in_dim3A_301 = vector.shape_cast %get3A_300 : vector<3x1xf32> to vector<3x1xf32>
    %broadcast_in_dim3A_302 = vector.broadcast %broadcast_in_dim3A_301 : vector<3x1xf32> to vector<3x3248xf32>
    %slice3A_303 = vector.extract_strided_slice %dot_general3A_30 {offsets = [40, 59], sizes = [3, 3248], strides = [1, 1]} : vector<128x3392xf32> to vector<3x3248xf32>
    %add3A_304 = arith.addf %broadcast_in_dim3A_302, %slice3A_303 : vector<3x3248xf32>
    %slice3A_305 = vector.extract_strided_slice %dot_general3A_41 {offsets = [56, 59], sizes = [3, 3248], strides = [1, 1]} : vector<128x3392xf32> to vector<3x3248xf32>
    %add3A_306 = arith.addf %add3A_304, %slice3A_305 : vector<3x3248xf32>
    %slice3A_307 = vector.extract_strided_slice %dot_general3A_8 {offsets = [104, 117], sizes = [3, 3248], strides = [1, 1]} : vector<128x3392xf32> to vector<3x3248xf32>
    %add3A_308 = arith.addf %add3A_306, %slice3A_307 : vector<3x3248xf32>
    %slice3A_309 = vector.extract_strided_slice %dot_general3A_19 {offsets = [120, 117], sizes = [3, 3248], strides = [1, 1]} : vector<128x3392xf32> to vector<3x3248xf32>
    %add3A_310 = arith.addf %add3A_308, %slice3A_309 : vector<3x3248xf32>
    %swap3A_311 = arith.constant 0 : index
    %swap3A_312 = arith.constant 13 : index
    %swap3A_313 = arith.constant 0 : index
    %swap3A_314 = arith.constant 0 : index
    %swap3A_315 = vector.load %arg4[%swap3A_311, %swap3A_312, %swap3A_313, %swap3A_314] : memref<1x16x3x3248xf32, #tpu.memory_space<vmem>>, vector<1x1x3x3248xf32>
    %swap3A_316 = vector.shape_cast %swap3A_315 : vector<1x1x3x3248xf32> to vector<3x3248xf32>
    %swap3A_317 = vector.shape_cast %add3A_310 : vector<3x3248xf32> to vector<1x1x3x3248xf32>
    tpu.vector_store %arg4[%swap3A_311, %swap3A_312, %swap3A_313, %swap3A_314], %swap3A_317 {strides = array<i32>} : memref<1x16x3x3248xf32, #tpu.memory_space<vmem>>, vector<1x1x3x3248xf32>,
    %get3A_318 = arith.constant 0 : index
    %get3A_319 = arith.constant 0 : index
    %get3A_320 = vector.load %arg3[%get3A_318, %get3A_319] : memref<3x1xf32, #tpu.memory_space<vmem>>, vector<3x1xf32>
    %broadcast_in_dim3A_321 = vector.shape_cast %get3A_320 : vector<3x1xf32> to vector<3x1xf32>
    %broadcast_in_dim3A_322 = vector.broadcast %broadcast_in_dim3A_321 : vector<3x1xf32> to vector<3x3248xf32>
    %slice3A_323 = vector.extract_strided_slice %dot_general3A_30 {offsets = [32, 59], sizes = [3, 3248], strides = [1, 1]} : vector<128x3392xf32> to vector<3x3248xf32>
    %add3A_324 = arith.addf %broadcast_in_dim3A_322, %slice3A_323 : vector<3x3248xf32>
    %slice3A_325 = vector.extract_strided_slice %dot_general3A_41 {offsets = [48, 59], sizes = [3, 3248], strides = [1, 1]} : vector<128x3392xf32> to vector<3x3248xf32>
    %add3A_326 = arith.addf %add3A_324, %slice3A_325 : vector<3x3248xf32>
    %slice3A_327 = vector.extract_strided_slice %dot_general3A_8 {offsets = [96, 117], sizes = [3, 3248], strides = [1, 1]} : vector<128x3392xf32> to vector<3x3248xf32>
    %add3A_328 = arith.addf %add3A_326, %slice3A_327 : vector<3x3248xf32>
    %slice3A_329 = vector.extract_strided_slice %dot_general3A_19 {offsets = [112, 117], sizes = [3, 3248], strides = [1, 1]} : vector<128x3392xf32> to vector<3x3248xf32>
    %add3A_330 = arith.addf %add3A_328, %slice3A_329 : vector<3x3248xf32>
    %swap3A_331 = arith.constant 0 : index
    %swap3A_332 = arith.constant 14 : index
    %swap3A_333 = arith.constant 0 : index
    %swap3A_334 = arith.constant 0 : index
    %swap3A_335 = vector.load %arg4[%swap3A_331, %swap3A_332, %swap3A_333, %swap3A_334] : memref<1x16x3x3248xf32, #tpu.memory_space<vmem>>, vector<1x1x3x3248xf32>
    %swap3A_336 = vector.shape_cast %swap3A_335 : vector<1x1x3x3248xf32> to vector<3x3248xf32>
    %swap3A_337 = vector.shape_cast %add3A_330 : vector<3x3248xf32> to vector<1x1x3x3248xf32>
    tpu.vector_store %arg4[%swap3A_331, %swap3A_332, %swap3A_333, %swap3A_334], %swap3A_337 {strides = array<i32>} : memref<1x16x3x3248xf32, #tpu.memory_space<vmem>>, vector<1x1x3x3248xf32>,
    %get3A_338 = arith.constant 0 : index
    %get3A_339 = arith.constant 0 : index
    %get3A_340 = vector.load %arg3[%get3A_338, %get3A_339] : memref<3x1xf32, #tpu.memory_space<vmem>>, vector<3x1xf32>
    %broadcast_in_dim3A_341 = vector.shape_cast %get3A_340 : vector<3x1xf32> to vector<3x1xf32>
    %broadcast_in_dim3A_342 = vector.broadcast %broadcast_in_dim3A_341 : vector<3x1xf32> to vector<3x3248xf32>
    %slice3A_343 = vector.extract_strided_slice %dot_general3A_41 {offsets = [40, 59], sizes = [3, 3248], strides = [1, 1]} : vector<128x3392xf32> to vector<3x3248xf32>
    %add3A_344 = arith.addf %broadcast_in_dim3A_342, %slice3A_343 : vector<3x3248xf32>
    %slice3A_345 = vector.extract_strided_slice %dot_general3A_30 {offsets = [56, 60], sizes = [3, 3248], strides = [1, 1]} : vector<128x3392xf32> to vector<3x3248xf32>
    %add3A_346 = arith.addf %add3A_344, %slice3A_345 : vector<3x3248xf32>
    %slice3A_347 = vector.extract_strided_slice %dot_general3A_19 {offsets = [104, 117], sizes = [3, 3248], strides = [1, 1]} : vector<128x3392xf32> to vector<3x3248xf32>
    %add3A_348 = arith.addf %add3A_346, %slice3A_347 : vector<3x3248xf32>
    %slice3A_349 = vector.extract_strided_slice %dot_general3A_8 {offsets = [120, 118], sizes = [3, 3248], strides = [1, 1]} : vector<128x3392xf32> to vector<3x3248xf32>
    %add3A_350 = arith.addf %add3A_348, %slice3A_349 : vector<3x3248xf32>
    %swap3A_351 = arith.constant 0 : index
    %swap3A_352 = arith.constant 15 : index
    %swap3A_353 = arith.constant 0 : index
    %swap3A_354 = arith.constant 0 : index
    %swap3A_355 = vector.load %arg4[%swap3A_351, %swap3A_352, %swap3A_353, %swap3A_354] : memref<1x16x3x3248xf32, #tpu.memory_space<vmem>>, vector<1x1x3x3248xf32>
    %swap3A_356 = vector.shape_cast %swap3A_355 : vector<1x1x3x3248xf32> to vector<3x3248xf32>
    %swap3A_357 = vector.shape_cast %add3A_350 : vector<3x3248xf32> to vector<1x1x3x3248xf32>
    tpu.vector_store %arg4[%swap3A_351, %swap3A_352, %swap3A_353, %swap3A_354], %swap3A_357 {strides = array<i32>} : memref<1x16x3x3248xf32, #tpu.memory_space<vmem>>, vector<1x1x3x3248xf32>,
    return
  }
  func.func @transform_0(%arg0: i32) -> (i32, i32, i32, i32) {
    %c0_i32 = arith.constant 0 : i32
    %c0_i32_0 = arith.constant 0 : i32
    %c0_i32_1 = arith.constant 0 : i32
    %c0_i32_2 = arith.constant 0 : i32
    return %arg0, %c0_i32, %c0_i32_0, %c0_i32_1 : i32, i32, i32, i32
  }
  func.func @transform_1(%arg0: i32) -> (i32, i32) {
    %c0_i32 = arith.constant 0 : i32
    %c0_i32_0 = arith.constant 0 : i32
    %c0_i32_1 = arith.constant 0 : i32
    return %c0_i32, %c0_i32_0 : i32, i32
  }
  func.func @transform_2(%arg0: i32) -> (i32, i32) {
    %c0_i32 = arith.constant 0 : i32
    %c0_i32_0 = arith.constant 0 : i32
    %c0_i32_1 = arith.constant 0 : i32
    return %c0_i32, %c0_i32_0 : i32, i32
  }
  func.func @transform_3(%arg0: i32) -> (i32, i32, i32, i32) {
    %c0_i32 = arith.constant 0 : i32
    %c0_i32_0 = arith.constant 0 : i32
    %c0_i32_1 = arith.constant 0 : i32
    %c0_i32_2 = arith.constant 0 : i32
    return %arg0, %c0_i32, %c0_i32_0, %c0_i32_1 : i32, i32, i32, i32
  }
}

</mosaic_0001>

<sc_bundles>
// kernel: sparse-core-data-format-call.1.cloned.1.call-start
scs
called_computation.1_lowered:
.L_overlay_start_0:
0x0: {  	s1 =	sld [smem:$0x3FD9]  }
0x1: {  	s2 =	sld [smem:$0x3FFE];
	_ =	sdelay $0x1  }
0x2: {  	s3 =	srdreg.scid  }
0x3: {  	s0 =	sand.u32 $0x1, s3  }
0x4: {  	s17 =	sshll.u32 s0, $0xA;
	s1 =	sadd.s32 s2, s1  }
0x5: {  	s1 =	sadd.s32 s1, s17  }
0x6: {  	[smem:$0x3FBE] =	sst s1  }
0x7: {  	_ = 	snop  }
0x8: {  	(tm) =	ssettm $0x1  }
0x9: {  	s18 =	sld [smem:$0x3FFB];
	_ =	sdelay $0x3  }
0xa: {  	_ =	strace s18  }
0xb: {  	s1 =	sld [smem:$0x3FFC];
	_ =	sdelay $0x3  }
0xc: {  	_ =	strace s1  }
0xd: {  	s1 =	sld [smem:$0x3FFD];
	_ =	sdelay $0x3  }
0xe: {  	_ =	strace s1  }
0xf: {  	_ =	strace $0x8FFFFFFF  }
0x10: {  	s19 =	sld [smem:$0x3FDB];
	_ =	sdelay $0x1  }
0x11: {  	s20 =	simm.s32 $_scs_section_size  }
0x12: {  	s4 =	simm.s32 $_size__tile_overlayer_lowered;
	s5 =	simm.s32 $_tile_overlayer_lowered  }
0x13: {  	s23 =	simm.s32 $0x1BFF;
	s22 =	sshll.u32 s5, $0x1;
	s1 =	sadd.s32 s20, s19  }
0x14: {  	s6 =	simm.s32 $0x0;
	s21 =	sshll.u32 s4, $0x1;
	s4 =	sadd.s32 s22, s1  }
0x15: {  	[timem:s6], [sflag:s23] =	dma.local [hbm:s4], s21  }
0x16: {  	_ =	swait.ge [sflag:s23], s21  }
0x17: {  	s2 =	ssub.s32 $0x0, s21;
	[sflag:s23] =	ssyncset.done $0x0  }
0x18: {  	[sflag:s23] =	ssyncadd.s32 s2;
	_ =	sdelay $0x1  }
0x19: {  	s24 =	simm.s32 $0x1B8B  }
0x1a: {  	_ =	swait.ge [sflag:s24], $0x1  }
0x1b: {  	[sflag:s24] =	ssyncset.done $0x0  }
0x1c: {  	s26 =	simm.s32 $0x1B8E;
	s25 =	sld [smem:$0x3FFE];
	[sflag:s24] =	ssyncadd.s32 $0xFFFFFFFF  }
0x1d: {  	s27 =	simm.s32 $execute0_lowered;
	[smem:$0x3FD2] =	sst s26  }
0x1e: {  	s4 =	sshll.u32 s27, $0x1;
	_ =	strace $0x80000046;
	[dreg:$0x1] =	wrdreg $0xFFFFFFFF  }
0x1f: {  	s28 =	simm.s32 $_size_execute0_lowered;
	s1 =	sadd.s32 s1, s4;
	[dreg:$0x0] =	wrdreg $0x0  }
0x20: {  	s4 =	sshll.u32 s28, $0x1;
	[dreg:$0x2] =	wrdreg s1  }
0x21: {  	[dreg:$0x3] =	wrdreg s4  }
0x22: {  	[dreg:$0x4] =	wrdreg $0xC0  }
0x23: {  	_ =	task [dreg:s6], $0x5FFFF  }
0x24: {  	[dreg:$0x1] =	wrdreg $0xFFFFFFFF  }
0x25: {  	[dreg:$0x0] =	wrdreg $0x60  }
0x26: {  	[dreg:$0x2] =	wrdreg s25  }
0x27: {  	[dreg:$0x3] =	wrdreg $0x9  }
0x28: {  	_ =	task.clear_ibuf [dreg:s6], $0x4FFFF;
	_ =	strace $0x90000046  }
0x29: {  	s29 =	simm.s32 $0x9;
	_ =	strace $0x80000048  }
0x2a: {  	_ =	swait.ge [sflag:s29], $0x1  }
0x2b: {  	[sflag:s29] =	ssyncadd.s32 $0xFFFFFFFF  }
0x2c: {  	_ =	strace $0x90000048  }
0x2d: {  	_ =	sfence  }
0x2e: {  	s30 =	sld [smem:$0x0];
	_ =	sdelay $0x2  }
0x2f: {  	s31 =	sshll.u32 s3, $0xD;
	s3 =	sshrl.u32 s3, $0x2  }
0x30: {  	s2 =	sand.u32 $0x4000, s31;
	s1 =	sadd.s32 s3, s30  }
0x31: {  	s0 =	sor.u32 s2, s0;
	s1 =	sshll.u32 s1, $0x11  }
0x32: {  	s0 =	sor.u32 s1, s0  }
0x33: {  	s0 =	sadd.s32 $0x8F2B, s0  }
0x34: {  	[sflag:s0] =	ssyncadd.remote.s32 $0x1  }
0x35: {  	_ =	sfence.sel $0xFFFF  }
0x36: {  	[dreg:$0x0] =	wrdreg $0xFFFFFFFF;
	(pc) =	sbr.abs _section_cstart, $3  }
0x37: {  	[dreg:$0x1] =	wrdreg $0xFFFFFFFF  }
0x38: {  	_ =	task.clear_ibuf [dreg:s6], $0x2FFFF;
	_ =	strace $0x9FFFFFFF  }
0x39: {  	(tm) =	ssettm $0x7FFFFFFF  }
tec
execute0_lowered:
.L_overlay_start_1:
0x0: {  	(tag) =	ssettag $0x1  }
0x1: {  	s0 =	stileid.u32;
	s3 =	rddreg [dreg:$0x0]  }
0x2: {  	_ =	strace $0x80000047;
	s4 =	srdreg.scid;
	s28 =	simm.s32 $0x2  }
0x3: {  	p0 =	por $0x0, $0x0;
	s16 =	simm.s32 $0x0;
	s18 =	simm.s32 $0x0  }
0x4: {  	s19 =	simm.s32 $0x0;
	s13 =	simm.s32 $0x0;
	s20 =	simm.s32 $0x0  }
0x5: {  	s14 =	simm.s32 $0x0;
	s17 =	simm.s32 $0x0;
	s1 =	sshrl.u32 s0, $0x1  }
0x6: {  	s4 =	sand.u32 $0x1, s4;
	s5 =	sand.u32 $0x1, s0;
	s7 =	sshll.u32 s0, $0x2  }
0x7: {  	s2 =	sand.u32 $0x1, s1;
	s9 =	sxor.u32 $0x1D, s5;
	s10 =	ssub.s32 $0x2, s4  }
0x8: {  	s7 =	sand.u32 $0x30, s7;
	s12 =	sshll.u32 s4, $0x7;
	s6 =	ssub.s32 $0x2, s2  }
0x9: {  	s15 =	smov.u32 s5;
	s8 =	sshrl.u32 s6, $0x1;
	s6 =	sand.u32 $0x1, s6  }
0xa: {  	s1 =	smul.u32 $0x3900, s2;
	s11 =	sshrl.u32 s10, $0x1;
	s8 =	sadd.s32 s6, s8  }
0xb: {  	s29 =	sshll.u32 s7, $0x8;
	s30 =	smax.u32 s7, $0x29;
	s8 =	smul.u32 s9, s8  }
.Ltmp0:
0xc: {  	s27 =	ssub.s32 s10, s11;
	s31 =	sshll.u32 s30, $0xA;
	(pc) =	sbr.rel .LBB1_1-.Ltmp0, $4  }
0xd: {  	s1 =	sadd.s32 s1, s3;
	s3 =	sadd.s32 $0x2800, s3;
	s6 =	simm.s32 $0x1  }
0xe: {  	[sflag:s6] =	ssyncpa.u1 $0x0;
	s1 =	sadd.s32 s29, s1;
	s8 =	smul.u32 s27, s8  }
0xf: {  	s9 =	sxor.u32 $0xE400, s31;
	[sflag:s28] =	ssyncpa.u1 $0x0;
	s1 =	sadd.s32 s12, s1  }
0x10: {  	s12 =	simm.s32 $0x0;
	s10 =	sadd.s32 $0x312800, s1;
	s11 =	sadd.s32 $0x1, s8  }
.LBB1_9:
0x11: {  	s1 =	smul.u32 $0x1C80, s14  }
0x12: {  	s20 =	smul.u32 $0xCB100, s20  }
0x13: {  	s22 =	sshll.u32 s17, $0xE;
	s1 =	sadd.s32 s3, s1  }
0x14: {  	s19 =	smul.u32 $0x65880, s19;
	s23 =	sshll.u32 s13, $0x7;
	s1 =	sadd.s32 s20, s1  }
0x15: {  	s31 =	sand.u32 $0x4000, s22;
	s1 =	sadd.s32 s23, s1  }
0x16: {  	s20 =	sor.u32 $0x8000, s31;
	s1 =	sadd.s32 s19, s1  }
0x17: {  	[hbm4b:s1+s12] =	stream.linear.scatter [tilespmem:s20], [sflag:$0x2], s21, $0x38;
	[tilespmem:$0x10000] =	vst v63  }
.LBB1_10:
0x18: {  	p1 =	slt.u32 s17, $0x2  }
0x19: {  	p2 =	sgt.s32 @!p1 s18, $0x38  }
0x1a: {  	s1 =	smov.u32 s18;
	s19 =	sshra.s32 @!p1 s18, $0x1F;
	p2 =	por !p2, p1  }
0x1b: {  	s18 =	sand.u32 @!p1 s19, s18;
	s1 =	simm.s32 @p2 $0x38  }
0x1c: {  	s21 =	sadd.s32 $0x2, s15;
	p2 =	sgt.s32 @!p1 s16, $0x29;
	s1 =	ssub.s32 @!p1 s1, s18  }
0x1d: {  	s22 =	sadd.s32 $0x1, s17;
	p2 =	por !p2, p1;
	s18 =	sadd.s32 @!p1 $0xFFFFFFC8, s1  }
0x1e: {  	p0 =	por !p0, !p0;
	s16 =	simm.s32 @p2 $0x29;
	p2 =	sgt.s32 @!p1 s18, $0x0  }
0x1f: {  	s1 =	ssub.s32 @!p1 $0x39, s1;
	s16 =	sshll.u32 @!p1 s16, $0xA;
	p2 =	por !p2, p1  }
0x20: {  	s16 =	ssub.s32 @!p1 $0xE400, s16;
	s1 =	simm.s32 @!p2 $0x0;
	p2 =	sgt.s32 s21, $0x38  }
0x21: {  	s1 =	smul.u32 @!p1 s1, s16;
	s21 =	smov.u32 @p2 s5;
	p2 =	sne.s32 s17, s11  }
.Ltmp1:
0x22: {  	s20 =	smov.u32 s2;
	s19 =	simm.s32 @!p1 $0x2;
	(pc) =	sbr.rel @!p2 .LBB1_11-.Ltmp1, $4  }
0x23: {  	s18 =	smov.u32 s14;
	s14 =	smov.u32 s15;
	s1 =	sand.u32 @!p1 $0x3FFFFC00, s1  }
0x24: {  	s16 =	smov.u32 s13;
	s13 =	smov.u32 s7;
	_ =	swait.ge @!p1 [sflag:s19], s1  }
0x25: {  	s17 =	smov.u32 s22;
	s1 =	ssub.s32 @!p1 $0x0, s1;
	[sflag:s19] =	ssyncset.done @!p1 $0x0  }
0x26: {  	s15 =	smov.u32 s21;
	[sflag:s19] =	ssyncadd.s32 @!p1 s1;
	s19 =	smov.u32 s4  }
.LBB1_1:
0x27: {  	p1 =	sge.u32 s17, s8  }
0x28: {  	p2 =	sgt.s32 @!p1 s15, $0x38  }
0x29: {  	s1 =	smov.u32 s15;
	s21 =	sshra.s32 @!p1 s15, $0x1F;
	p2 =	por !p2, p1  }
0x2a: {  	s21 =	sand.u32 @!p1 s21, s15;
	s1 =	simm.s32 @p2 $0x38  }
0x2b: {  	s1 =	ssub.s32 @!p1 s1, s21  }
0x2c: {  	s21 =	sadd.s32 @!p1 $0xFFFFFFC8, s1  }
0x2d: {  	p2 =	sgt.s32 @!p1 s21, $0x0  }
0x2e: {  	s1 =	ssub.s32 @!p1 $0x39, s1;
	p2 =	por !p2, p1  }
0x2f: {  	s22 =	smul.u32 @!p1 $0x7200, s15;
	s1 =	simm.s32 @!p2 $0x0  }
0x30: {  	s31 =	sadd.s32 $0xFFFFFFFF, s17;
	s21 =	sxor.u32 @!p1 $0xFFFFFFFF, s17;
	s1 =	smul.u32 @!p1 s1, s9  }
0x31: {  	s23 =	simm.s32 @!p1 $0x400;
	s24 =	simm.s32 @!p1 $0x800;
	s21 =	sshll.u32 @!p1 s21, $0xE  }
0x32: {  	s22 =	sadd.s32 @!p1 s22, s10;
	s21 =	sand.u32 @!p1 $0x4000, s21;
	s1 =	sand.u32 @!p1 $0x3FFFFC00, s1  }
0x33: {  	[tilespmem:s21], [sflag:$0x1] =	stream.strided.gather @!p1 [hbm4b:s22+s23], s1, s24, s23, $0x38;
	[tilespmem:$0x10000] =	vst v63  }
0x34: {  	p1 =	sge.u32 s31, s8  }
.Ltmp2:
0x35: {  	_ = 	snop;
	(pc) =	sbr.rel @p1 .LBB1_10-.Ltmp2, $1  }
0x36: {  	_ =	sdelay $0x3  }
0x37: {  	p1 =	sgt.s32 s14, $0x38;
	s1 =	smov.u32 s14;
	s21 =	sshra.s32 s14, $0x1F  }
0x38: {  	s22 =	smov.u32 s13;
	s1 =	simm.s32 @!p1 $0x38;
	s21 =	sand.u32 s21, s14  }
0x39: {  	s23 =	smov.u32 s13;
	p1 =	sgt.s32 s13, $0x29;
	s1 =	ssub.s32 s1, s21  }
0x3a: {  	s22 =	simm.s32 @!p1 $0x29;
	s21 =	sadd.s32 $0xFFFFFFC8, s1;
	s1 =	ssub.s32 $0x39, s1  }
0x3b: {  	s30 =	sshll.u32 s22, $0xA;
	s22 =	sadd.s32 $0x1, s14;
	p2 =	sgt.s32 s21, $0x0  }
0x3c: {  	s21 =	ssub.s32 $0xE400, s30;
	p1 =	slt.s32 s22, $0x39;
	s1 =	simm.s32 @p2 $0x0  }
0x3d: {  	s22 =	simm.s32 @!p1 $0x39;
	p1 =	slt.s32 s13, $0x29;
	s1 =	smul.u32 s1, s21  }
0x3e: {  	s22 =	ssub.s32 s22, s14;
	s23 =	simm.s32 @!p1 $0x29  }
0x3f: {  	p1 =	slt.s32 s22, $0x1;
	s21 =	sand.u32 $0x3FFFFC00, s1;
	s1 =	ssub.s32 s23, s13  }
0x40: {  	p2 =	slt.s32 @!p1 s1, $0xFFFFFFF1  }
0x41: {  	p1 =	por p1, p2  }
.Ltmp3:
0x42: {  	_ = 	snop;
	(pc) =	sbr.rel @p1 .LBB1_9-.Ltmp3, $4  }
0x43: {  	_ = 	snop  }
0x44: {  	_ =	swait.ge [sflag:s6], s21  }
0x45: {  	s31 =	ssub.s32 $0x0, s21;
	[sflag:s6] =	ssyncset.done $0x0  }
0x46: {  	[sflag:s6] =	ssyncadd.s32 s31  }
0x47: {  	s23 =	simm.s32 $0x1  }
0x48: {  	s23 =	simm.s32 @!p0 $0x0  }
0x49: {  	s25 =	sadd.s32 $0x10, s1;
	s24 =	sshll.u32 s23, $0xE  }
0x4a: {  	s26 =	simm.s32 $0x0;
	s23 =	sor.u32 $0x8070, s24;
	s24 =	sor.u32 $0x40, s24  }
.LBB1_4:
0x4b: {  	s27 =	smov.u32 s24;
	s28 =	smov.u32 s23;
	s29 =	simm.s32 $0x0  }
.LBB1_5:
0x4c: {  	v1 =	vmov s27;
	_ =	sdelay $0x3  }
0x4d: {  	s30 =	simm.s32 $0x0  }
0x4e: {  	v7 =	vld.idx.msk [tilespmem:v1+s30+$0x30 ss:$0x1], $0xffff  }
0x4f: {  	v0 =	vmov s28;
	v8 =	vld.idx.msk [tilespmem:v1+s30+$0xFFFFFFC0 ss:$0x1], $0xffff  }
0x50: {  	v6 =	vld.idx.msk [tilespmem:v1+s30+$0xFFFFFFD0 ss:$0x1], $0xffff  }
0x51: {  	v5 =	vld.idx.msk [tilespmem:v1+s30+$0xFFFFFFE0 ss:$0x1], $0xffff  }
0x52: {  	v4 =	vld.idx.msk [tilespmem:v1+s30+$0xFFFFFFF0 ss:$0x1], $0xffff  }
0x53: {  	v2 =	vld.idx.msk [tilespmem:v1+s30+$0x0 ss:$0x1], $0xffff  }
0x54: {  	v3 =	vld.idx.msk [tilespmem:v1+s30+$0x10 ss:$0x1], $0xffff;
	[tilespmem:v0+s30+$0x0 ss:$0x1] =	vst.idx.msk $0xffff, v7  }
0x55: {  	s31 =	simm.s32 $0x80;
	s1 =	simm.s32 $0x400;
	[tilespmem:v0+s30+$0xFFFFFF90 ss:$0x1] =	vst.idx.msk $0xffff, v8;
	v7 =	vld.idx.msk [tilespmem:v1+s30+$0x20 ss:$0x1], $0xffff  }
.LBB1_6:
0x56: {  	p1 =	sne.s32 s1, $0xE00;
	v8 =	vld.idx.msk [tilespmem:v1+s31+$0x30 ss:$0x1], $0xffff;
	[tilespmem:v0+s30+$0xFFFFFFA0 ss:$0x1] =	vst.idx.msk $0xffff, v6  }
0x57: {  	v9 =	vld.idx.msk [tilespmem:v1+s31+$0xFFFFFFC0 ss:$0x1], $0xffff;
	[tilespmem:v0+s30+$0xFFFFFFB0 ss:$0x1] =	vst.idx.msk $0xffff, v5  }
0x58: {  	v6 =	vld.idx.msk [tilespmem:v1+s31+$0xFFFFFFD0 ss:$0x1], $0xffff;
	[tilespmem:v0+s30+$0xFFFFFFC0 ss:$0x1] =	vst.idx.msk $0xffff, v4  }
.Ltmp4:
0x59: {  	v5 =	vld.idx.msk [tilespmem:v1+s31+$0xFFFFFFE0 ss:$0x1], $0xffff;
	[tilespmem:v0+s30+$0xFFFFFFD0 ss:$0x1] =	vst.idx.msk $0xffff, v2;
	(pc) =	sbr.rel @p1 .LBB1_6-.Ltmp4, $4  }
0x5a: {  	v4 =	vld.idx.msk [tilespmem:v1+s31+$0xFFFFFFF0 ss:$0x1], $0xffff;
	[tilespmem:v0+s30+$0xFFFFFFE0 ss:$0x1] =	vst.idx.msk $0xffff, v3  }
0x5b: {  	v2 =	vld.idx.msk [tilespmem:v1+s31+$0x0 ss:$0x1], $0xffff;
	[tilespmem:v0+s30+$0xFFFFFFF0 ss:$0x1] =	vst.idx.msk $0xffff, v7;
	s30 =	smov.u32 s31  }
0x5c: {  	v3 =	vld.idx.msk [tilespmem:v1+s30+$0x10 ss:$0x1], $0xffff;
	[tilespmem:v0+s30+$0x0 ss:$0x1] =	vst.idx.msk $0xffff, v8  }
0x5d: {  	s31 =	sshra.s32 s1, $0x2;
	s1 =	sadd.s32 $0x200, s1;
	[tilespmem:v0+s30+$0xFFFFFF90 ss:$0x1] =	vst.idx.msk $0xffff, v9;
	v7 =	vld.idx.msk [tilespmem:v1+s30+$0x20 ss:$0x1], $0xffff  }
0x5e: {  	_ =	sdelay $0x3  }
0x5f: {  	[tilespmem:v0+s30+$0xFFFFFFA0 ss:$0x1] =	vst.idx.msk $0xffff, v6  }
0x60: {  	v56 =	vld.idx.msk [tilespmem:v1+s31+$0x30 ss:$0x1], $0xffff;
	[tilespmem:v0+s30+$0xFFFFFFB0 ss:$0x1] =	vst.idx.msk $0xffff, v5  }
0x61: {  	v57 =	vld.idx.msk [tilespmem:v1+s31+$0xFFFFFFC0 ss:$0x1], $0xffff;
	[tilespmem:v0+s30+$0xFFFFFFC0 ss:$0x1] =	vst.idx.msk $0xffff, v4  }
0x62: {  	v58 =	vld.idx.msk [tilespmem:v1+s31+$0xFFFFFFD0 ss:$0x1], $0xffff;
	[tilespmem:v0+s30+$0xFFFFFFD0 ss:$0x1] =	vst.idx.msk $0xffff, v2  }
0x63: {  	v59 =	vld.idx.msk [tilespmem:v1+s31+$0xFFFFFFE0 ss:$0x1], $0xffff;
	[tilespmem:v0+s30+$0xFFFFFFE0 ss:$0x1] =	vst.idx.msk $0xffff, v3  }
0x64: {  	v60 =	vld.idx.msk [tilespmem:v1+s31+$0xFFFFFFF0 ss:$0x1], $0xffff;
	[tilespmem:v0+s30+$0xFFFFFFF0 ss:$0x1] =	vst.idx.msk $0xffff, v7  }
0x65: {  	v61 =	vld.idx.msk [tilespmem:v1+s31+$0x0 ss:$0x1], $0xffff;
	[tilespmem:v0+s31+$0x0 ss:$0x1] =	vst.idx.msk $0xffff, v56  }
0x66: {  	v62 =	vld.idx.msk [tilespmem:v1+s31+$0x10 ss:$0x1], $0xffff;
	s29 =	sadd.s32 $0x1, s29;
	[tilespmem:v0+s31+$0xFFFFFF90 ss:$0x1] =	vst.idx.msk $0xffff, v57  }
0x67: {  	v63 =	vld.idx.msk [tilespmem:v1+s31+$0x20 ss:$0x1], $0xffff;
	p1 =	sne.s32 s29, s25;
	[tilespmem:v0+s31+$0xFFFFFFA0 ss:$0x1] =	vst.idx.msk $0xffff, v58  }
.Ltmp5:
0x68: {  	[tilespmem:v0+s31+$0xFFFFFFB0 ss:$0x1] =	vst.idx.msk $0xffff, v59;
	(pc) =	sbr.rel @p1 .LBB1_5-.Ltmp5, $4  }
0x69: {  	[tilespmem:v0+s31+$0xFFFFFFC0 ss:$0x1] =	vst.idx.msk $0xffff, v60  }
0x6a: {  	[tilespmem:v0+s31+$0xFFFFFFD0 ss:$0x1] =	vst.idx.msk $0xffff, v61  }
0x6b: {  	[tilespmem:v0+s31+$0xFFFFFFE0 ss:$0x1] =	vst.idx.msk $0xffff, v62  }
0x6c: {  	s28 =	sadd.s32 $0x400, s28;
	s27 =	sadd.s32 $0x400, s27;
	[tilespmem:v0+s31+$0xFFFFFFF0 ss:$0x1] =	vst.idx.msk $0xffff, v63  }
0x6d: {  	s26 =	sadd.s32 $0x1, s26  }
0x6e: {  	p1 =	sne.s32 s26, s22  }
.Ltmp6:
0x6f: {  	_ = 	snop;
	(pc) =	sbr.rel @p1 .LBB1_4-.Ltmp6, $4  }
.Ltmp7:
0x70: {  	_ = 	snop;
	(pc) =	sbr.rel @!p1 .LBB1_9-.Ltmp7, $4  }
0x71: {  	_ = 	snop  }
0x72: {  	_ = 	snop  }
0x73: {  	s23 =	sadd.s32 $0x4000, s23;
	s24 =	sadd.s32 $0x4000, s24  }
0x74: {  	_ = 	snop  }
.LBB1_11:
0x75: {  	_ =	sfence.sel $0x180000  }
0x76: {  	s1 =	simm.s32 $0x1;
	[bflag:$0x0] =	sbarrier.arrive $0xFFFF  }
0x77: {  	s31 =	simm.s32 $0x2;
	[sflag:s1] =	ssyncpa.u1 $0x1  }
0x78: {  	[sflag:s31] =	ssyncpa.u1 $0x1  }
0x79: {  	_ =	strace $0x90000047  }
0x7a: {  	[bflag:$0x2] =	sbarrier.arrive $0xFFFF  }
0x7b: {  	p0 =	sne.s32 s0, $0x0;
	s0 =	rddreg [dreg:$0x1]  }
0x7c: {  	s0 =	sadd.s32 @!p0 $0x100000, s0  }
0x7d: {  	[sflag:s0] =	ssyncadd.tile.s32 @!p0 $0x1;
	_ =	shalt  }
.Lfunc_end1:
_tile_overlayer_lowered:
.L_overlay_start_2:
0x7e: {  	(tag) =	ssettag $0x2  }
0x7f: {  	s0 =	rddreg [dreg:$0x0];
	s2 =	stileid.u32  }
0x80: {  	s1 =	rddreg [dreg:$0x1];
	p0 =	sne.s32 s2, $0x0  }
0x81: {  	s3 =	rddreg [dreg:$0x2];
	[bflag:$0x3] =	sbarrier.arrive $0xFFFF;
	s2 =	simm.s32 @!p0 $0x1C01  }
0x82: {  	[timem:s3], [sflag:s2] =	dma.local @!p0 [hbm:s0], s1  }
0x83: {  	s0 =	simm.s32 @!p0 $0x1  }
0x84: {  	_ =	swait.ge @!p0 [sflag:s0], s1  }
0x85: {  	s1 =	ssub.s32 @!p0 $0x0, s1;
	[sflag:s0] =	ssyncset.done @!p0 $0x0  }
0x86: {  	[sflag:s0] =	ssyncadd.s32 @!p0 s1  }
0x87: {  	[bflag:$0x3] =	sbarrier.arrive $0xFFFF  }
0x88: {  	_ =	shalt  }

// kernel: sparse-core-data-format-call.cloned.1.call-start
scs
called_computation_lowered:
.L_overlay_start_0:
0x0: {  	s1 =	sld [smem:$0x3FD9]  }
0x1: {  	s2 =	sld [smem:$0x3FFE];
	_ =	sdelay $0x1  }
0x2: {  	s3 =	srdreg.scid  }
0x3: {  	s0 =	sand.u32 $0x1, s3  }
0x4: {  	s17 =	sshll.u32 s0, $0xA;
	s1 =	sadd.s32 s2, s1  }
0x5: {  	s1 =	sadd.s32 s1, s17  }
0x6: {  	[smem:$0x3FBE] =	sst s1  }
0x7: {  	_ = 	snop  }
0x8: {  	(tm) =	ssettm $0x1  }
0x9: {  	s18 =	sld [smem:$0x3FFB];
	_ =	sdelay $0x3  }
0xa: {  	_ =	strace s18  }
0xb: {  	s1 =	sld [smem:$0x3FFC];
	_ =	sdelay $0x3  }
0xc: {  	_ =	strace s1  }
0xd: {  	s1 =	sld [smem:$0x3FFD];
	_ =	sdelay $0x3  }
0xe: {  	_ =	strace s1  }
0xf: {  	_ =	strace $0x8FFFFFFF  }
0x10: {  	s19 =	sld [smem:$0x3FDB];
	_ =	sdelay $0x1  }
0x11: {  	s20 =	simm.s32 $_scs_section_size  }
0x12: {  	s4 =	simm.s32 $_size__tile_overlayer_lowered;
	s5 =	simm.s32 $_tile_overlayer_lowered  }
0x13: {  	s23 =	simm.s32 $0x1BFF;
	s22 =	sshll.u32 s5, $0x1;
	s1 =	sadd.s32 s20, s19  }
0x14: {  	s6 =	simm.s32 $0x0;
	s21 =	sshll.u32 s4, $0x1;
	s4 =	sadd.s32 s22, s1  }
0x15: {  	[timem:s6], [sflag:s23] =	dma.local [hbm:s4], s21  }
0x16: {  	_ =	swait.ge [sflag:s23], s21  }
0x17: {  	s2 =	ssub.s32 $0x0, s21;
	[sflag:s23] =	ssyncset.done $0x0  }
0x18: {  	[sflag:s23] =	ssyncadd.s32 s2;
	_ =	sdelay $0x1  }
0x19: {  	s24 =	simm.s32 $0x1B8B  }
0x1a: {  	_ =	swait.ge [sflag:s24], $0x1  }
0x1b: {  	[sflag:s24] =	ssyncset.done $0x0  }
0x1c: {  	s26 =	simm.s32 $0x1B8E;
	s25 =	sld [smem:$0x3FFE];
	[sflag:s24] =	ssyncadd.s32 $0xFFFFFFFF  }
0x1d: {  	s27 =	simm.s32 $execute0_lowered;
	[smem:$0x3FD2] =	sst s26  }
0x1e: {  	s4 =	sshll.u32 s27, $0x1;
	_ =	strace $0x80000049;
	[dreg:$0x1] =	wrdreg $0xFFFFFFFF  }
0x1f: {  	s28 =	simm.s32 $_size_execute0_lowered;
	s1 =	sadd.s32 s1, s4;
	[dreg:$0x0] =	wrdreg $0x0  }
0x20: {  	s4 =	sshll.u32 s28, $0x1;
	[dreg:$0x2] =	wrdreg s1  }
0x21: {  	[dreg:$0x3] =	wrdreg s4  }
0x22: {  	[dreg:$0x4] =	wrdreg $0xC0  }
0x23: {  	_ =	task [dreg:s6], $0x5FFFF  }
0x24: {  	[dreg:$0x1] =	wrdreg $0xFFFFFFFF  }
0x25: {  	[dreg:$0x0] =	wrdreg $0x60  }
0x26: {  	[dreg:$0x2] =	wrdreg s25  }
0x27: {  	[dreg:$0x3] =	wrdreg $0x9  }
0x28: {  	_ =	task.clear_ibuf [dreg:s6], $0x4FFFF;
	_ =	strace $0x90000049  }
0x29: {  	s29 =	simm.s32 $0x9;
	_ =	strace $0x8000004B  }
0x2a: {  	_ =	swait.ge [sflag:s29], $0x1  }
0x2b: {  	[sflag:s29] =	ssyncadd.s32 $0xFFFFFFFF  }
0x2c: {  	_ =	strace $0x9000004B  }
0x2d: {  	_ =	sfence  }
0x2e: {  	s30 =	sld [smem:$0x0];
	_ =	sdelay $0x2  }
0x2f: {  	s31 =	sshll.u32 s3, $0xD;
	s3 =	sshrl.u32 s3, $0x2  }
0x30: {  	s2 =	sand.u32 $0x4000, s31;
	s1 =	sadd.s32 s3, s30  }
0x31: {  	s0 =	sor.u32 s2, s0;
	s1 =	sshll.u32 s1, $0x11  }
0x32: {  	s0 =	sor.u32 s1, s0  }
0x33: {  	s0 =	sadd.s32 $0x8F2B, s0  }
0x34: {  	[sflag:s0] =	ssyncadd.remote.s32 $0x1  }
0x35: {  	_ =	sfence.sel $0xFFFF  }
0x36: {  	[dreg:$0x0] =	wrdreg $0xFFFFFFFF;
	(pc) =	sbr.abs _section_cstart, $3  }
0x37: {  	[dreg:$0x1] =	wrdreg $0xFFFFFFFF  }
0x38: {  	_ =	task.clear_ibuf [dreg:s6], $0x2FFFF;
	_ =	strace $0x9FFFFFFF  }
0x39: {  	(tm) =	ssettm $0x7FFFFFFF  }
tec
execute0_lowered:
.L_overlay_start_1:
0x0: {  	(tag) =	ssettag $0x1  }
0x1: {  	s0 =	srdreg.scid;
	s3 =	rddreg [dreg:$0x0];
	s7 =	simm.s32 $0x2  }
0x2: {  	s11 =	simm.s32 $0x0;
	p0 =	por $0x0, $0x0;
	s1 =	sshll.u32 s0, $0x4  }
0x3: {  	s13 =	simm.s32 $0x0;
	s0 =	stileid.u32;
	s1 =	sand.u32 $0x10, s1  }
0x4: {  	s12 =	simm.s32 $0x0;
	s9 =	simm.s32 $0x0;
	s2 =	sor.u32 s0, s1  }
.Ltmp0:
0x5: {  	s8 =	simm.s32 $0x0;
	s2 =	sshrl.u32 s2, $0x2;
	(pc) =	sbr.rel .LBB1_1-.Ltmp0, $4  }
0x6: {  	s5 =	sand.u32 $0x3, s0;
	s1 =	rddreg [dreg:$0x1];
	s4 =	sshll.u32 s2, $0x4  }
0x7: {  	_ =	strace $0x8000004A;
	s6 =	sadd.s32 s4, s3;
	s4 =	simm.s32 $0x1  }
0x8: {  	s10 =	smov.u32 s5;
	s3 =	sadd.s32 $0x199400, s3;
	[sflag:s4] =	ssyncpa.u1 $0x0  }
0x9: {  	s6 =	sadd.s32 $0x2800, s6;
	[sflag:s7] =	ssyncpa.u1 $0x0;
	s7 =	simm.s32 $0x6800  }
.LBB1_5:
0xa: {  	s14 =	sadd.s32 $0x80, s9  }
0xb: {  	s12 =	sadd.s32 $0x4, s10;
	s15 =	smov.u32 s10;
	p2 =	sgt.s32 s14, $0xCB0  }
0xc: {  	p1 =	slt.u32 s8, $0x2;
	s15 =	smov.u32 @p2 s12  }
0xd: {  	s8 =	sadd.s32 $0x1, s8;
	s14 =	simm.s32 @p2 $0x0;
	p2 =	sgt.s32 s15, $0x3  }
0xe: {  	s15 =	smov.u32 @p2 s5;
	p2 =	sne.s32 s8, $0x1C  }
.Ltmp1:
0xf: {  	_ = 	snop;
	(pc) =	sbr.rel @!p2 .LBB1_6-.Ltmp1, $4  }
0x10: {  	s11 =	simm.s32 @!p1 $0x2  }
0x11: {  	s13 =	smov.u32 s9;
	p0 =	por !p0, !p0;
	_ =	swait.ge @!p1 [sflag:s11], $0x4000  }
0x12: {  	s12 =	smov.u32 s10;
	[sflag:s11] =	ssyncset.done @!p1 $0x0;
	s9 =	smov.u32 s14  }
0x13: {  	[sflag:s11] =	ssyncadd.s32 @!p1 $0xFFFFC000;
	s11 =	smov.u32 s2;
	s10 =	smov.u32 s15  }
.LBB1_1:
0x14: {  	p1 =	sgt.u32 s8, $0x19  }
0x15: {  	p2 =	sgt.s32 @!p1 s10, $0x3  }
0x16: {  	s14 =	smov.u32 s10;
	s16 =	smov.u32 s9;
	p2 =	por !p2, p1  }
0x17: {  	s15 =	sshra.s32 @!p1 s10, $0x1F;
	s14 =	simm.s32 @p2 $0x3;
	p2 =	sgt.s32 @!p1 s9, $0xC31  }
0x18: {  	s17 =	sshra.s32 @!p1 s9, $0x1F;
	s15 =	sand.u32 @!p1 s15, s10;
	p2 =	por !p2, p1  }
0x19: {  	s14 =	ssub.s32 @!p1 s14, s15;
	s15 =	sand.u32 @!p1 s17, s9;
	s16 =	simm.s32 @p2 $0xC31  }
0x1a: {  	s14 =	sadd.s32 @!p1 $0xFFFFFFFD, s14;
	s15 =	ssub.s32 @!p1 s16, s15  }
0x1b: {  	p2 =	sgt.s32 @!p1 s14, $0x0;
	s16 =	sadd.s32 @!p1 $0xFFFFF3CF, s15  }
0x1c: {  	s14 =	sshll.u32 @!p1 s14, $0x7;
	s15 =	ssub.s32 @!p1 $0xCB1, s15;
	p3 =	sgt.s32 @!p1 s16, $0x7F  }
0x1d: {  	s14 =	ssub.s32 @!p1 $0x80, s14;
	p2 =	por !p2, p1;
	p3 =	por !p3, p1  }
0x1e: {  	s14 =	simm.s32 @!p2 $0x0;
	s15 =	simm.s32 @!p3 $0x0  }
0x1f: {  	s16 =	sxor.u32 @!p1 $0xFFFFFFFF, s8;
	s14 =	smul.u32 @!p1 s15, s14  }
0x20: {  	s15 =	sshll.u32 @!p1 s16, $0xE;
	s16 =	smul.u32 @!p1 $0x65880, s10  }
0x21: {  	s18 =	simm.s32 @!p1 $0x400  }
0x22: {  	s17 =	sshll.u32 @!p1 s9, $0x7;
	s15 =	sand.u32 @!p1 $0x4000, s15;
	s16 =	sadd.s32 @!p1 s16, s6  }
0x23: {  	s14 =	sand.u32 @!p1 $0x3FFFFF80, s14;
	s16 =	sadd.s32 @!p1 s17, s16;
	s17 =	simm.s32 @!p1 $0x80  }
0x24: {  	[tilespmem:s15], [sflag:$0x1] =	stream.strided.gather @!p1 [hbm4b:s16+s17], s14, s18, s17, $0x38;
	[tilespmem:$0x10100] =	vst v63  }
0x25: {  	p1 =	seq.s32 s8, $0x0  }
0x26: {  	p2 =	seq.s32 @!p1 s8, $0x1B  }
0x27: {  	p1 =	por p1, p2  }
.Ltmp2:
0x28: {  	_ = 	snop;
	(pc) =	sbr.rel @p1 .LBB1_5-.Ltmp2, $1  }
0x29: {  	_ =	sdelay $0x3  }
0x2a: {  	p1 =	sgt.s32 s12, $0x3;
	s14 =	smov.u32 s12  }
0x2b: {  	s15 =	sshra.s32 s12, $0x1F;
	s16 =	smov.u32 s13;
	s17 =	sshra.s32 s13, $0x1F  }
0x2c: {  	s14 =	simm.s32 @!p1 $0x3;
	s15 =	sand.u32 s15, s12;
	p1 =	sgt.s32 s13, $0xC31  }
0x2d: {  	s28 =	sand.u32 s17, s13;
	s14 =	ssub.s32 s14, s15;
	s16 =	simm.s32 @!p1 $0xC31  }
0x2e: {  	s14 =	sadd.s32 $0xFFFFFFFD, s14;
	s15 =	ssub.s32 s16, s28  }
0x2f: {  	p1 =	sgt.s32 s14, $0x0;
	s16 =	sadd.s32 $0xFFFFF3CF, s15;
	s14 =	sshll.u32 s14, $0x7  }
0x30: {  	s15 =	ssub.s32 $0xCB1, s15;
	p2 =	sgt.s32 s16, $0x7F;
	s14 =	ssub.s32 $0x80, s14  }
0x31: {  	s15 =	simm.s32 @p2 $0x0;
	s14 =	simm.s32 @p1 $0x0  }
0x32: {  	s14 =	smul.u32 s15, s14;
	_ =	sdelay $0x1  }
0x33: {  	s15 =	simm.s32 $0x1;
	s14 =	sand.u32 $0x3FFFFF80, s14  }
0x34: {  	s15 =	simm.s32 @!p0 $0x0;
	_ =	swait.ge [sflag:s4], s14  }
0x35: {  	s29 =	sshll.u32 s15, $0xE;
	s14 =	ssub.s32 $0x0, s14;
	[sflag:s4] =	ssyncset.done $0x0  }
0x36: {  	s16 =	sor.u32 $0x40, s29;
	[sflag:s4] =	ssyncadd.s32 s14  }
0x37: {  	s30 =	smul.u32 $0x10200, s15;
	v0 =	vld [tilespmem:s16+$0x30]  }
0x38: {  	v1 =	vld [tilespmem:s16+$0xFFFFFFD0]  }
0x39: {  	s14 =	sshrl.u32 s30, $0x2;
	v5 =	vld [tilespmem:s16+$0xFFFFFFE0]  }
0x3a: {  	s15 =	sor.u32 $0x8000, s14;
	v6 =	vld [tilespmem:s16+$0xFFFFFFF0]  }
0x3b: {  	s31 =	sand.u32 $0x1, s8;
	v4 =	vld [tilespmem:s16+$0x0];
	s17 =	sadd.s32 $0x0, s15  }
0x3c: {  	s14 =	smul.u32 $0x10200, s31;
	v3 =	vld [tilespmem:s16+$0x10];
	[tilespmem:s17+$0x3870 ss:$0x81] =	vst.msk $0xffff, v0  }
0x3d: {  	v2 =	vld [tilespmem:s16+$0x20];
	[tilespmem:s17+$0x810 ss:$0x81] =	vst.msk $0xffff, v1  }
0x3e: {  	s14 =	sshrl.u32 s14, $0x2;
	v0 =	vld [tilespmem:s16+$0xFFFFFFC0];
	[tilespmem:s17+$0x1020 ss:$0x81] =	vst.msk $0xffff, v5;
	s16 =	sadd.s32 $0x80, s16  }
0x3f: {  	s18 =	simm.s32 $0x4;
	s19 =	simm.s32 $0x8;
	s14 =	sor.u32 $0x8000, s14;
	[tilespmem:s17+$0x1830 ss:$0x81] =	vst.msk $0xffff, v6;
	v1 =	vld [tilespmem:s16+$0x30]  }
.LBB1_3:
0x40: {  	p1 =	sne.s32 s19, $0x1FC;
	v5 =	vld [tilespmem:s16+$0xFFFFFFD0];
	[tilespmem:s17+$0x2040 ss:$0x81] =	vst.msk $0xffff, v4  }
0x41: {  	v6 =	vld [tilespmem:s16+$0xFFFFFFE0];
	[tilespmem:s17+$0x2850 ss:$0x81] =	vst.msk $0xffff, v3  }
0x42: {  	s20 =	sshra.s32 s18, $0x2;
	s18 =	smov.u32 s19;
	v7 =	vld [tilespmem:s16+$0xFFFFFFF0];
	[tilespmem:s17+$0x3060 ss:$0x81] =	vst.msk $0xffff, v2  }
.Ltmp3:
0x43: {  	v4 =	vld [tilespmem:s16+$0x0];
	[tilespmem:s17+$0x0 ss:$0x81] =	vst.msk $0xffff, v0;
	s17 =	sadd.s32 s20, s15;
	(pc) =	sbr.rel @p1 .LBB1_3-.Ltmp3, $4  }
0x44: {  	v3 =	vld [tilespmem:s16+$0x10];
	[tilespmem:s17+$0x3870 ss:$0x81] =	vst.msk $0xffff, v1  }
0x45: {  	[tilespmem:s17+$0x810 ss:$0x81] =	vst.msk $0xffff, v5;
	v2 =	vld [tilespmem:s16+$0x20]  }
0x46: {  	v0 =	vld [tilespmem:s16+$0xFFFFFFC0];
	[tilespmem:s17+$0x1020 ss:$0x81] =	vst.msk $0xffff, v6;
	s16 =	sadd.s32 $0x80, s16  }
0x47: {  	s19 =	sadd.s32 $0x4, s19;
	v1 =	vld [tilespmem:s16+$0x30];
	[tilespmem:s17+$0x1830 ss:$0x81] =	vst.msk $0xffff, v7  }
0x48: {  	s19 =	sshll.u32 s13, $0x3;
	v5 =	vld [tilespmem:s16+$0xFFFFFFD0];
	[tilespmem:s17+$0x2040 ss:$0x81] =	vst.msk $0xffff, v4  }
0x49: {  	s27 =	sand.u32 $0x7F, s13;
	v58 =	vld [tilespmem:s16+$0xFFFFFFE0];
	s19 =	sand.u32 $0xFFFFFC00, s19;
	[tilespmem:s17+$0x2850 ss:$0x81] =	vst.msk $0xffff, v3  }
0x4a: {  	s18 =	sshra.s32 s18, $0x2;
	v59 =	vld [tilespmem:s16+$0xFFFFFFF0];
	s13 =	sor.u32 s27, s19;
	[tilespmem:s17+$0x3060 ss:$0x81] =	vst.msk $0xffff, v2;
	s29 =	smulhi.u32 $0x4EC4EC4F, s19  }
0x4b: {  	v60 =	vld [tilespmem:s16+$0x0];
	s15 =	sadd.s32 s18, s15;
	s20 =	smulhi.u32 $0x4EC4EC4F, s13;
	[tilespmem:s17+$0x0 ss:$0x81] =	vst.msk $0xffff, v0  }
0x4c: {  	v61 =	vld [tilespmem:s16+$0x10];
	s12 =	smul.u32 $0xD000, s12;
	[tilespmem:s15+$0x3870 ss:$0x81] =	vst.msk $0xffff, v1  }
0x4d: {  	v62 =	vld [tilespmem:s16+$0x20];
	s11 =	smul.u32 $0x34000, s11;
	s30 =	sshrl.u32 s29, $0xA;
	s28 =	sshrl.u32 s20, $0xA;
	[tilespmem:s15+$0x810 ss:$0x81] =	vst.msk $0xffff, v5  }
0x4e: {  	v63 =	vld [tilespmem:s16+$0xFFFFFFC0];
	[tilespmem:s15+$0x1020 ss:$0x81] =	vst.msk $0xffff, v58;
	s16 =	sand.u32 $0x7F, s30;
	s17 =	smul.u32 $0xD00, s28  }
0x4f: {  	[tilespmem:s15+$0x1830 ss:$0x81] =	vst.msk $0xffff, v59;
	s16 =	smul.u32 $0x1A0, s16  }
.Ltmp4:
0x50: {  	s12 =	sadd.s32 s3, s12;
	[tilespmem:s15+$0x2040 ss:$0x81] =	vst.msk $0xffff, v60;
	s13 =	ssub.s32 s13, s17;
	(pc) =	sbr.rel .LBB1_5-.Ltmp4, $4  }
0x51: {  	s11 =	sadd.s32 s11, s12;
	[tilespmem:s15+$0x2850 ss:$0x81] =	vst.msk $0xffff, v61;
	s31 =	sand.u32 $0x7, s13  }
0x52: {  	[tilespmem:s15+$0x3060 ss:$0x81] =	vst.msk $0xffff, v62;
	s11 =	sadd.s32 s16, s11;
	s13 =	sshrl.u32 s13, $0x3;
	s12 =	sshll.u32 s31, $0x12  }
0x53: {  	[tilespmem:s15+$0x0 ss:$0x81] =	vst.msk $0xffff, v63;
	s11 =	sadd.s32 s13, s11;
	s12 =	sor.u32 $0x400, s12  }
0x54: {  	[hbm4b:s11+s12] =	stream.strided.scatter [tilespmem:s14], [sflag:$0x2], $0x4000, s7, s12, $0x20;
	[tilespmem:$0x10100] =	vst v63  }
.LBB1_6:
0x55: {  	_ =	sfence.sel $0x180000  }
0x56: {  	s2 =	simm.s32 $0x1;
	[bflag:$0x0] =	sbarrier.arrive $0xFFFF  }
0x57: {  	s31 =	simm.s32 $0x2;
	[sflag:s2] =	ssyncpa.u1 $0x1  }
0x58: {  	[sflag:s31] =	ssyncpa.u1 $0x1  }
0x59: {  	p0 =	sne.s32 s0, $0x0;
	_ =	strace $0x9000004A  }
0x5a: {  	s0 =	sadd.s32 @!p0 $0x100000, s1;
	[bflag:$0x2] =	sbarrier.arrive $0xFFFF  }
0x5b: {  	[sflag:s0] =	ssyncadd.tile.s32 @!p0 $0x1;
	_ =	shalt  }
.Lfunc_end1:
_tile_overlayer_lowered:
.L_overlay_start_2:
0x5c: {  	(tag) =	ssettag $0x2  }
0x5d: {  	s0 =	rddreg [dreg:$0x0];
	s2 =	stileid.u32  }
0x5e: {  	s1 =	rddreg [dreg:$0x1];
	p0 =	sne.s32 s2, $0x0  }
0x5f: {  	s3 =	rddreg [dreg:$0x2];
	[bflag:$0x3] =	sbarrier.arrive $0xFFFF;
	s2 =	simm.s32 @!p0 $0x1C01  }
0x60: {  	[timem:s3], [sflag:s2] =	dma.local @!p0 [hbm:s0], s1  }
0x61: {  	s0 =	simm.s32 @!p0 $0x1  }
0x62: {  	_ =	swait.ge @!p0 [sflag:s0], s1  }
0x63: {  	s1 =	ssub.s32 @!p0 $0x0, s1;
	[sflag:s0] =	ssyncset.done @!p0 $0x0  }
0x64: {  	[sflag:s0] =	ssyncadd.s32 @!p0 s1  }
0x65: {  	[bflag:$0x3] =	sbarrier.arrive $0xFFFF  }
0x66: {  	_ =	shalt  }

</sc_bundles>
